<compile_context>
chip_gen: v7x
topology: tpu7x:2x2x1
jax: 0.10.2.dev20260603
libtpu: 0.0.44.dev20260713+nightly
codegen_flags: <defaults>
</compile_context>

<pallas_src>
import functools

import jax
import jax.numpy as jnp
from jax import lax
from jax.experimental import pallas as pl
from jax.experimental.pallas import tpu as pltpu
from jax.experimental.pallas import tpu_sc as plsc

_E, _K, _NS = 8, 2, 1
_AUX = 0.01
_T, _H, _I = 2048, 1024, 1024
_BLK = 256
_PR = ((_T * _K + _E * (_BLK - 1)) + _BLK - 1) // _BLK * _BLK
_NBR = _PR // _BLK
_NW = 32
_CHUNK = _T // _NW


def _router_body(x_ref, gw_ref, w0_ref, w1_ref, pos0_ref, pos1_ref,
                 be_ref, bv_ref, bx_ref, loss_ref):
    x = x_ref[0]
    logits = lax.dot_general(gw_ref[...], x, (((0,), (1,)), ((), ())),
                             preferred_element_type=jnp.float32)
    m = jnp.max(logits, axis=0, keepdims=True)
    ex = jnp.exp(logits - m)
    p = ex / jnp.sum(ex, axis=0, keepdims=True)
    t = x.shape[0]
    row = lax.broadcasted_iota(jnp.int32, (_E, t), 0)
    rank = jnp.zeros((_E, t), jnp.float32)
    for j in range(_E):
        pj = p[j:j + 1, :]
        rank += (pj > p).astype(jnp.float32)
        rank += ((pj == p) & (row > j)).astype(jnp.float32)
    sel = rank < _K
    sel_f = sel.astype(jnp.float32)
    selp = jnp.where(sel, p, 0.0)
    w = selp / jnp.sum(selp, axis=0, keepdims=True)
    tpe = jnp.sum(sel_f, axis=1, keepdims=True)
    ppe = jnp.mean(p, axis=1, keepdims=True)
    loss_ref[...] = jnp.sum(tpe * ppe, keepdims=True) * (_E * _AUX / t)
    cume = sel_f
    sh = 1
    while sh < t:
        left = jnp.zeros((_E, sh), jnp.float32)
        cume = cume + jnp.concatenate([left, cume[:, :t - sh]], axis=1)
        sh *= 2
    cume = cume - sel_f
    run = sel_f
    sh = 1
    while sh < _E:
        top = jnp.zeros((sh, t), jnp.float32)
        run = run + jnp.concatenate([top, run[:_E - sh, :]], axis=0)
        sh *= 2
    csel = run
    first = sel & (csel == 1.0)
    second = sel & (csel == 2.0)
    cnt = tpe
    padded = ((cnt.astype(jnp.int32) + (_BLK - 1)) // _BLK) * _BLK
    padf = padded.astype(jnp.float32)
    offr = padf
    sh = 1
    while sh < _E:
        top = jnp.zeros((sh, 1), jnp.float32)
        offr = offr + jnp.concatenate([top, offr[:_E - sh, :]], axis=0)
        sh *= 2
    off = offr - padf
    slot = off + cume
    w0_ref[...] = jnp.sum(jnp.where(first, w, 0.0), axis=0, keepdims=True)
    w1_ref[...] = jnp.sum(jnp.where(second, w, 0.0), axis=0, keepdims=True)
    pos0_ref[...] = jnp.sum(jnp.where(first, slot, 0.0), axis=0,
                            keepdims=True).astype(jnp.int32)
    pos1_ref[...] = jnp.sum(jnp.where(second, slot, 0.0), axis=0,
                            keepdims=True).astype(jnp.int32)
    total = jnp.sum(padded)
    sb = lax.broadcasted_iota(jnp.int32, (1, _NBR), 1) * _BLK
    off_i = off.astype(jnp.int32)
    acc = jnp.sum((sb >= off_i).astype(jnp.int32), axis=0, keepdims=True)
    be_ref[...] = jnp.maximum(acc - 1, 0)
    bv_ref[...] = (sb < total).astype(jnp.int32)
    bx_ref[...] = jnp.minimum(sb // _BLK, total // _BLK - 1)


def _router(x, gate_w):
    return pl.pallas_call(
        _router_body,
        in_specs=[
            pl.BlockSpec((1, _T, _H), lambda: (0, 0, 0)),
            pl.BlockSpec((_H, _E), lambda: (0, 0)),
        ],
        out_shape=[
            jax.ShapeDtypeStruct((1, _T), jnp.float32),
            jax.ShapeDtypeStruct((1, _T), jnp.float32),
            jax.ShapeDtypeStruct((1, _T), jnp.int32),
            jax.ShapeDtypeStruct((1, _T), jnp.int32),
            jax.ShapeDtypeStruct((1, _NBR), jnp.int32),
            jax.ShapeDtypeStruct((1, _NBR), jnp.int32),
            jax.ShapeDtypeStruct((1, _NBR), jnp.int32),
            jax.ShapeDtypeStruct((1, 1), jnp.float32),
        ],
    )(x, gate_w)


@functools.cache
def _make_dispatch_sc():
    mesh = plsc.VectorSubcoreMesh(core_axis_name="c", subcore_axis_name="s")

    @functools.partial(
        pl.kernel,
        out_type=jax.ShapeDtypeStruct((_PR, _H), jnp.float32),
        mesh=mesh,
        scratch_types=[
            pltpu.VMEM((_CHUNK,), jnp.int32),
            pltpu.VMEM((_CHUNK,), jnp.int32),
            pltpu.VMEM((_CHUNK, _H), jnp.float32),
            pltpu.SemaphoreType.DMA,
        ],
    )
    def dispatch_sc(x_hbm, pos0_hbm, pos1_hbm, xs_hbm, idx0_v, idx1_v, rows_v, sem):
        wid = lax.axis_index("s") * 2 + lax.axis_index("c")
        base = wid * _CHUNK
        pltpu.sync_copy(x_hbm.at[0, pl.ds(base, _CHUNK)], rows_v)
        pltpu.sync_copy(pos0_hbm.at[pl.ds(base, _CHUNK)], idx0_v)
        pltpu.sync_copy(pos1_hbm.at[pl.ds(base, _CHUNK)], idx1_v)
        pltpu.async_copy(rows_v, xs_hbm.at[idx0_v], sem).wait()
        pltpu.async_copy(rows_v, xs_hbm.at[idx1_v], sem).wait()

    return dispatch_sc


def _dispatch(x, pos0, pos1):
    return _make_dispatch_sc()(x, pos0, pos1)


@functools.cache
def _make_combine_sc():
    mesh = plsc.VectorSubcoreMesh(core_axis_name="c", subcore_axis_name="s")

    @functools.partial(
        pl.kernel,
        out_type=(jax.ShapeDtypeStruct((_T, _H), jnp.float32),
                  jax.ShapeDtypeStruct((_T, _H), jnp.float32)),
        mesh=mesh,
        scratch_types=[
            pltpu.VMEM((_CHUNK,), jnp.int32),
            pltpu.VMEM((_CHUNK, _H), jnp.float32),
            pltpu.SemaphoreType.DMA,
        ],
    )
    def combine_sc(ys_hbm, pos0_hbm, pos1_hbm, y0_hbm, y1_hbm, idx_v, rows_v, sem):
        wid = lax.axis_index("s") * 2 + lax.axis_index("c")
        base = wid * _CHUNK
        pltpu.sync_copy(pos0_hbm.at[pl.ds(base, _CHUNK)], idx_v)
        pltpu.async_copy(ys_hbm.at[idx_v], rows_v, sem).wait()
        pltpu.sync_copy(rows_v, y0_hbm.at[pl.ds(base, _CHUNK)])
        pltpu.sync_copy(pos1_hbm.at[pl.ds(base, _CHUNK)], idx_v)
        pltpu.async_copy(ys_hbm.at[idx_v], rows_v, sem).wait()
        pltpu.sync_copy(rows_v, y1_hbm.at[pl.ds(base, _CHUNK)])

    return combine_sc


def _combine(ys, pos0, pos1):
    return _make_combine_sc()(ys, pos0, pos1)


def _gffn_body(be_sref, bv_sref, bx_sref, xs_ref, wg_ref, wu_ref, wd_ref,
               ys_ref):
    b = pl.program_id(0)

    @pl.when(bv_sref[b] != 0)
    def _():
        xb = xs_ref[...]
        g = jnp.dot(xb, wg_ref[0], preferred_element_type=jnp.float32)
        u = jnp.dot(xb, wu_ref[0], preferred_element_type=jnp.float32)
        h = g * jax.nn.sigmoid(g) * u
        ys_ref[...] = jnp.dot(h, wd_ref[0], preferred_element_type=jnp.float32)


def _grouped_ffn(be, bv, bx, xs, wg, wu, wd):
    grid_spec = pltpu.PrefetchScalarGridSpec(
        num_scalar_prefetch=3,
        grid=(_NBR,),
        in_specs=[
            pl.BlockSpec((_BLK, _H), lambda b, be, bv, bx: (bx[b], 0)),
            pl.BlockSpec((1, _H, _I), lambda b, be, bv, bx: (be[b], 0, 0)),
            pl.BlockSpec((1, _H, _I), lambda b, be, bv, bx: (be[b], 0, 0)),
            pl.BlockSpec((1, _I, _H), lambda b, be, bv, bx: (be[b], 0, 0)),
        ],
        out_specs=pl.BlockSpec((_BLK, _H), lambda b, be, bv, bx: (bx[b], 0)),
    )
    return pl.pallas_call(
        _gffn_body,
        grid_spec=grid_spec,
        out_shape=jax.ShapeDtypeStruct((_PR, _H), jnp.float32),
    )(be, bv, bx, xs, wg, wu, wd)


def _shared_body(x_ref, sg_ref, su_ref, sd_ref, out_ref):
    x = x_ref[0]
    g = jnp.dot(x, sg_ref[0], preferred_element_type=jnp.float32)
    u = jnp.dot(x, su_ref[0], preferred_element_type=jnp.float32)
    h = g * jax.nn.sigmoid(g) * u
    ysh = jnp.dot(h, sd_ref[0], preferred_element_type=jnp.float32)
    out_ref[...] = ysh * (1.0 / _NS)


def _shared_ffn(x, sg, su, sd):
    tb = 256
    return pl.pallas_call(
        _shared_body,
        grid=(_T // tb,),
        in_specs=[
            pl.BlockSpec((1, tb, _H), lambda t: (0, t, 0)),
            pl.BlockSpec((1, _H, _I), lambda t: (0, 0, 0)),
            pl.BlockSpec((1, _H, _I), lambda t: (0, 0, 0)),
            pl.BlockSpec((1, _I, _H), lambda t: (0, 0, 0)),
        ],
        out_specs=pl.BlockSpec((tb, _H), lambda t: (t, 0)),
        out_shape=jax.ShapeDtypeStruct((_T, _H), jnp.float32),
    )(x, sg, su, sd)


def _final_body(sh_ref, y0_ref, y1_ref, w0_ref, w1_ref, out_ref):
    out_ref[...] = (sh_ref[...]
                    + w0_ref[...] * y0_ref[...] + w1_ref[...] * y1_ref[...])


def _final_combine(sh, y0, y1, w0, w1):
    tb = 512
    return pl.pallas_call(
        _final_body,
        grid=(_T // tb,),
        in_specs=[
            pl.BlockSpec((tb, _H), lambda t: (t, 0)),
            pl.BlockSpec((tb, _H), lambda t: (t, 0)),
            pl.BlockSpec((tb, _H), lambda t: (t, 0)),
            pl.BlockSpec((tb, 1), lambda t: (t, 0)),
            pl.BlockSpec((tb, 1), lambda t: (t, 0)),
        ],
        out_specs=pl.BlockSpec((tb, _H), lambda t: (t, 0)),
        out_shape=jax.ShapeDtypeStruct((_T, _H), jnp.float32),
    )(sh, y0, y1, w0, w1)


def kernel(hidden_states, gate_W, Wg, Wu, Wd, Sg, Su, Sd):
    b, s, h = hidden_states.shape
    w0, w1, pos0, pos1, be, bv, bx, loss = _router(hidden_states, gate_W)
    pos0f = pos0.reshape(s)
    pos1f = pos1.reshape(s)
    xs = _dispatch(hidden_states, pos0f, pos1f)
    ys = _grouped_ffn(be.reshape(_NBR), bv.reshape(_NBR), bx.reshape(_NBR),
                      xs, Wg, Wu, Wd)
    y0, y1 = _combine(ys, pos0f, pos1f)
    sh = _shared_ffn(hidden_states, Sg, Su, Sd)
    out = _final_combine(sh, y0, y1,
                         w0.reshape(s, 1), w1.reshape(s, 1))
    return out.reshape(b, s, h), loss[0, 0]

# --- scband reference (transcript-rebuilt; emitter-appended) ---
"""Pipeline reference for scband-bagley-mo-elayer-8761733284181 (READ-ONLY COPY).

The authoritative reference and input builder live on the scoring server;
editing this copy changes nothing except your own understanding.
"""

import jax, jax.numpy as jnp
import numpy as np

B, S, H = 1, 2048, 1024
E, K, I, NS = 8, 2, 1024, 1
AUX_COEF = 0.01


def setup_inputs(seed: int = 0) -> dict:
    key = jax.random.key(seed)
    ks = jax.random.split(key, 8)
    hidden_states = jax.random.normal(ks[0], (B, S, H), dtype=jnp.float32)
    gate_W = jax.random.normal(ks[1], (H, E), dtype=jnp.float32) * 0.02
    Wg = jax.random.normal(ks[2], (E, H, I), dtype=jnp.float32) * 0.02
    Wu = jax.random.normal(ks[3], (E, H, I), dtype=jnp.float32) * 0.02
    Wd = jax.random.normal(ks[4], (E, I, H), dtype=jnp.float32) * 0.02
    Sg = jax.random.normal(ks[5], (NS, H, I), dtype=jnp.float32) * 0.02
    Su = jax.random.normal(ks[6], (NS, H, I), dtype=jnp.float32) * 0.02
    Sd = jax.random.normal(ks[7], (NS, I, H), dtype=jnp.float32) * 0.02
    return {"hidden_states": hidden_states, "gate_W": gate_W, "Wg": Wg, "Wu": Wu, "Wd": Wd, "Sg": Sg, "Su": Su, "Sd": Sd}


def _silu(x):
    return x * jax.nn.sigmoid(x)


def reference(hidden_states, gate_W, Wg, Wu, Wd, Sg, Su, Sd):
    b, s, h = hidden_states.shape
    # Router
    router_logits = hidden_states @ gate_W              # [B, S, E]
    router_probs = jax.nn.softmax(router_logits, axis=-1)
    top_k_probs, expert_indices = jax.lax.top_k(router_probs, K)  # [B,S,K]
    top_k_probs = top_k_probs / jnp.sum(top_k_probs, axis=-1, keepdims=True)
    # Aux load-balancing loss
    num_tokens = b * s
    expert_mask = jax.nn.one_hot(expert_indices, E).sum(axis=-2)  # [B,S,E]
    tokens_per_expert = expert_mask.sum(axis=(0, 1))
    prob_per_expert = router_probs.mean(axis=(0, 1))
    router_loss = E * jnp.sum(tokens_per_expert * prob_per_expert) / num_tokens * AUX_COEF
    # Expert mixture (dense-masked form: mathematically identical since
    # unselected tokens receive weight exactly 0)
    x = hidden_states.reshape(-1, h)                    # [T, H]
    tp = top_k_probs.reshape(-1, K)                     # [T, K]
    ti = expert_indices.reshape(-1, K)                  # [T, K]
    out = jnp.zeros_like(x)
    for i in range(E):
        weights = jnp.sum(tp * (ti == i), axis=-1, keepdims=True)  # [T,1]
        hid = _silu(x @ Wg[i]) * (x @ Wu[i])            # SwiGLU: silu(gate)*up
        out = out + weights * (hid @ Wd[i])
    for j in range(NS):
        hid = _silu(x @ Sg[j]) * (x @ Su[j])
        out = out + (hid @ Sd[j]) / NS
    return out.reshape(b, s, h), router_loss

if __name__ == "__main__":
    import jax
    _d = setup_inputs()
    print(jax.jit(kernel)(*tuple(_d.values())))

</pallas_src>

<mosaic_0001>
#map = affine_map<(d0, d1) -> (0, 0)>
#map1 = affine_map<(d0, d1) -> (0)>
module attributes {stable_mosaic.version = 14 : i64} {
  func.func @combine_sc(%arg0: i32, %arg1: i32, %arg2: memref<6144x1024xf32, #tpu.memory_space<hbm>>, %arg3: memref<2048xi32, #tpu.memory_space<hbm>>, %arg4: memref<2048xi32, #tpu.memory_space<hbm>>, %arg5: memref<2048x1024xf32, #tpu.memory_space<hbm>>, %arg6: memref<2048x1024xf32, #tpu.memory_space<hbm>>, %arg7: memref<64xi32, #tpu.memory_space<vmem>>, %arg8: memref<64x1024xf32, #tpu.memory_space<vmem>>, %arg9: memref<!tpu.dma_semaphore, #tpu.memory_space<semaphore_mem>>) attributes {dimension_semantics = [#tpu.dimension_semantics<core_parallel>, #tpu.dimension_semantics<subcore_parallel>], iteration_bounds = array<i64: 2, 16>, scalar_prefetch = 0 : i64, scratch_operands = 3 : i64, tpu.core_type = #tpu.core_type<sc_vector_subcore>, window_params = [{transform_indices = #map}, {transform_indices = #map1}, {transform_indices = #map1}, {transform_indices = #map}, {transform_indices = #map}]} {
    %mul3A = arith.constant 2 : i32
    %mul3A_0 = arith.muli %arg1, %mul3A : i32
    %add3A = arith.addi %mul3A_0, %arg0 : i32
    %mul3A_1 = arith.constant 64 : i32
    %mul3A_2 = arith.muli %add3A, %mul3A_1 : i32
    "tpu.region"() ({
      %run_scoped3A = tpu.sem_alloc : memref<!tpu.dma_semaphore, #tpu.memory_space<semaphore_mem>>
      %dma_start3A_13 = tpu.memref_slice %arg3[%mul3A_2] : memref<2048xi32, #tpu.memory_space<hbm>> -> memref<64xi32, #tpu.memory_space<hbm>>
      %dma_start3A_14 = tpu.memref_slice %arg3[%mul3A_2] : memref<2048xi32, #tpu.memory_space<hbm>> -> memref<64xi32, #tpu.memory_space<hbm>>
      tpu.enqueue_dma source(%dma_start3A_14 : memref<64xi32, #tpu.memory_space<hbm>>) target(%arg7 : memref<64xi32, #tpu.memory_space<vmem>>) target_semaphore(%run_scoped3A : memref<!tpu.dma_semaphore, #tpu.memory_space<semaphore_mem>>)
      %dma_wait3A_15 = tpu.memref_slice %arg3[%mul3A_2] : memref<2048xi32, #tpu.memory_space<hbm>> -> memref<64xi32, #tpu.memory_space<hbm>>
      %dma_wait3A_16 = tpu.memref_slice %arg3[%mul3A_2] : memref<2048xi32, #tpu.memory_space<hbm>> -> memref<64xi32, #tpu.memory_space<hbm>>
      tpu.wait_dma2 semaphore(%run_scoped3A : memref<!tpu.dma_semaphore, #tpu.memory_space<semaphore_mem>>) src(%dma_wait3A_16 : memref<64xi32, #tpu.memory_space<hbm>>) dst(%arg7 : memref<64xi32, #tpu.memory_space<vmem>>)
      tpu.yield
    }) : () -> ()
    %dma_start3A = arith.constant 0 : i32
    %dma_start3A_3 = arith.constant 0 : i32
    %dma_start3A_4 = tpu.memref_slice %arg2[%dma_start3A, %dma_start3A_3] : memref<6144x1024xf32, #tpu.memory_space<hbm>> -> memref<6144x1024xf32, #tpu.memory_space<hbm>>
    tpu.enqueue_indirect_dma source(%dma_start3A_4 : memref<6144x1024xf32, #tpu.memory_space<hbm>>) target(%arg8 : memref<64x1024xf32, #tpu.memory_space<vmem>>) offsets(%arg7 : memref<64xi32, #tpu.memory_space<vmem>>) semaphore(%arg9 : memref<!tpu.dma_semaphore, #tpu.memory_space<semaphore_mem>>)
    %dma_wait3A = arith.constant 0 : i32
    %dma_wait3A_5 = arith.constant 0 : i32
    %dma_wait3A_6 = tpu.memref_slice %arg2[%dma_wait3A, %dma_wait3A_5] : memref<6144x1024xf32, #tpu.memory_space<hbm>> -> memref<6144x1024xf32, #tpu.memory_space<hbm>>
    tpu.wait_indirect_dma semaphore(%arg9 : memref<!tpu.dma_semaphore, #tpu.memory_space<semaphore_mem>>) src(%dma_wait3A_6 : memref<6144x1024xf32, #tpu.memory_space<hbm>>) dst(%arg8 : memref<64x1024xf32, #tpu.memory_space<vmem>>)
    "tpu.region"() ({
      %run_scoped3A = tpu.sem_alloc : memref<!tpu.dma_semaphore, #tpu.memory_space<semaphore_mem>>
      %dma_start3A_13 = arith.constant 0 : i32
      %dma_start3A_14 = tpu.memref_slice %arg5[%mul3A_2, %dma_start3A_13] : memref<2048x1024xf32, #tpu.memory_space<hbm>> -> memref<64x1024xf32, #tpu.memory_space<hbm>>
      %dma_start3A_15 = arith.constant 0 : i32
      %dma_start3A_16 = tpu.memref_slice %arg5[%mul3A_2, %dma_start3A_15] : memref<2048x1024xf32, #tpu.memory_space<hbm>> -> memref<64x1024xf32, #tpu.memory_space<hbm>>
      tpu.enqueue_dma source(%arg8 : memref<64x1024xf32, #tpu.memory_space<vmem>>) target(%dma_start3A_16 : memref<64x1024xf32, #tpu.memory_space<hbm>>) target_semaphore(%run_scoped3A : memref<!tpu.dma_semaphore, #tpu.memory_space<semaphore_mem>>)
      %dma_wait3A_17 = arith.constant 0 : i32
      %dma_wait3A_18 = tpu.memref_slice %arg5[%mul3A_2, %dma_wait3A_17] : memref<2048x1024xf32, #tpu.memory_space<hbm>> -> memref<64x1024xf32, #tpu.memory_space<hbm>>
      %dma_wait3A_19 = arith.constant 0 : i32
      %dma_wait3A_20 = tpu.memref_slice %arg5[%mul3A_2, %dma_wait3A_19] : memref<2048x1024xf32, #tpu.memory_space<hbm>> -> memref<64x1024xf32, #tpu.memory_space<hbm>>
      tpu.wait_dma2 semaphore(%run_scoped3A : memref<!tpu.dma_semaphore, #tpu.memory_space<semaphore_mem>>) src(%arg8 : memref<64x1024xf32, #tpu.memory_space<vmem>>) dst(%dma_wait3A_20 : memref<64x1024xf32, #tpu.memory_space<hbm>>)
      tpu.yield
    }) : () -> ()
    "tpu.region"() ({
      %run_scoped3A = tpu.sem_alloc : memref<!tpu.dma_semaphore, #tpu.memory_space<semaphore_mem>>
      %dma_start3A_13 = tpu.memref_slice %arg4[%mul3A_2] : memref<2048xi32, #tpu.memory_space<hbm>> -> memref<64xi32, #tpu.memory_space<hbm>>
      %dma_start3A_14 = tpu.memref_slice %arg4[%mul3A_2] : memref<2048xi32, #tpu.memory_space<hbm>> -> memref<64xi32, #tpu.memory_space<hbm>>
      tpu.enqueue_dma source(%dma_start3A_14 : memref<64xi32, #tpu.memory_space<hbm>>) target(%arg7 : memref<64xi32, #tpu.memory_space<vmem>>) target_semaphore(%run_scoped3A : memref<!tpu.dma_semaphore, #tpu.memory_space<semaphore_mem>>)
      %dma_wait3A_15 = tpu.memref_slice %arg4[%mul3A_2] : memref<2048xi32, #tpu.memory_space<hbm>> -> memref<64xi32, #tpu.memory_space<hbm>>
      %dma_wait3A_16 = tpu.memref_slice %arg4[%mul3A_2] : memref<2048xi32, #tpu.memory_space<hbm>> -> memref<64xi32, #tpu.memory_space<hbm>>
      tpu.wait_dma2 semaphore(%run_scoped3A : memref<!tpu.dma_semaphore, #tpu.memory_space<semaphore_mem>>) src(%dma_wait3A_16 : memref<64xi32, #tpu.memory_space<hbm>>) dst(%arg7 : memref<64xi32, #tpu.memory_space<vmem>>)
      tpu.yield
    }) : () -> ()
    %dma_start3A_7 = arith.constant 0 : i32
    %dma_start3A_8 = arith.constant 0 : i32
    %dma_start3A_9 = tpu.memref_slice %arg2[%dma_start3A_7, %dma_start3A_8] : memref<6144x1024xf32, #tpu.memory_space<hbm>> -> memref<6144x1024xf32, #tpu.memory_space<hbm>>
    tpu.enqueue_indirect_dma source(%dma_start3A_9 : memref<6144x1024xf32, #tpu.memory_space<hbm>>) target(%arg8 : memref<64x1024xf32, #tpu.memory_space<vmem>>) offsets(%arg7 : memref<64xi32, #tpu.memory_space<vmem>>) semaphore(%arg9 : memref<!tpu.dma_semaphore, #tpu.memory_space<semaphore_mem>>)
    %dma_wait3A_10 = arith.constant 0 : i32
    %dma_wait3A_11 = arith.constant 0 : i32
    %dma_wait3A_12 = tpu.memref_slice %arg2[%dma_wait3A_10, %dma_wait3A_11] : memref<6144x1024xf32, #tpu.memory_space<hbm>> -> memref<6144x1024xf32, #tpu.memory_space<hbm>>
    tpu.wait_indirect_dma semaphore(%arg9 : memref<!tpu.dma_semaphore, #tpu.memory_space<semaphore_mem>>) src(%dma_wait3A_12 : memref<6144x1024xf32, #tpu.memory_space<hbm>>) dst(%arg8 : memref<64x1024xf32, #tpu.memory_space<vmem>>)
    "tpu.region"() ({
      %run_scoped3A = tpu.sem_alloc : memref<!tpu.dma_semaphore, #tpu.memory_space<semaphore_mem>>
      %dma_start3A_13 = arith.constant 0 : i32
      %dma_start3A_14 = tpu.memref_slice %arg6[%mul3A_2, %dma_start3A_13] : memref<2048x1024xf32, #tpu.memory_space<hbm>> -> memref<64x1024xf32, #tpu.memory_space<hbm>>
      %dma_start3A_15 = arith.constant 0 : i32
      %dma_start3A_16 = tpu.memref_slice %arg6[%mul3A_2, %dma_start3A_15] : memref<2048x1024xf32, #tpu.memory_space<hbm>> -> memref<64x1024xf32, #tpu.memory_space<hbm>>
      tpu.enqueue_dma source(%arg8 : memref<64x1024xf32, #tpu.memory_space<vmem>>) target(%dma_start3A_16 : memref<64x1024xf32, #tpu.memory_space<hbm>>) target_semaphore(%run_scoped3A : memref<!tpu.dma_semaphore, #tpu.memory_space<semaphore_mem>>)
      %dma_wait3A_17 = arith.constant 0 : i32
      %dma_wait3A_18 = tpu.memref_slice %arg6[%mul3A_2, %dma_wait3A_17] : memref<2048x1024xf32, #tpu.memory_space<hbm>> -> memref<64x1024xf32, #tpu.memory_space<hbm>>
      %dma_wait3A_19 = arith.constant 0 : i32
      %dma_wait3A_20 = tpu.memref_slice %arg6[%mul3A_2, %dma_wait3A_19] : memref<2048x1024xf32, #tpu.memory_space<hbm>> -> memref<64x1024xf32, #tpu.memory_space<hbm>>
      tpu.wait_dma2 semaphore(%run_scoped3A : memref<!tpu.dma_semaphore, #tpu.memory_space<semaphore_mem>>) src(%arg8 : memref<64x1024xf32, #tpu.memory_space<vmem>>) dst(%dma_wait3A_20 : memref<64x1024xf32, #tpu.memory_space<hbm>>)
      tpu.yield
    }) : () -> ()
    return
  }
}

#map = affine_map<(d0, d1) -> (0, 0, 0)>
#map1 = affine_map<(d0, d1) -> (0)>
#map2 = affine_map<(d0, d1) -> (0, 0)>
module attributes {stable_mosaic.version = 14 : i64} {
  func.func @dispatch_sc(%arg0: i32, %arg1: i32, %arg2: memref<1x2048x1024xf32, #tpu.memory_space<hbm>>, %arg3: memref<2048xi32, #tpu.memory_space<hbm>>, %arg4: memref<2048xi32, #tpu.memory_space<hbm>>, %arg5: memref<6144x1024xf32, #tpu.memory_space<hbm>>, %arg6: memref<64xi32, #tpu.memory_space<vmem>>, %arg7: memref<64xi32, #tpu.memory_space<vmem>>, %arg8: memref<64x1024xf32, #tpu.memory_space<vmem>>, %arg9: memref<!tpu.dma_semaphore, #tpu.memory_space<semaphore_mem>>) attributes {dimension_semantics = [#tpu.dimension_semantics<core_parallel>, #tpu.dimension_semantics<subcore_parallel>], iteration_bounds = array<i64: 2, 16>, scalar_prefetch = 0 : i64, scratch_operands = 4 : i64, tpu.core_type = #tpu.core_type<sc_vector_subcore>, window_params = [{transform_indices = #map}, {transform_indices = #map1}, {transform_indices = #map1}, {transform_indices = #map2}]} {
    %mul3A = arith.constant 2 : i32
    %mul3A_0 = arith.muli %arg1, %mul3A : i32
    %add3A = arith.addi %mul3A_0, %arg0 : i32
    %mul3A_1 = arith.constant 64 : i32
    %mul3A_2 = arith.muli %add3A, %mul3A_1 : i32
    %run_scoped3A = arith.constant 0 : i32
    "tpu.region"() ({
      %run_scoped3A_13 = tpu.sem_alloc : memref<!tpu.dma_semaphore, #tpu.memory_space<semaphore_mem>>
      %dma_start3A_14 = arith.constant 0 : i32
      %dma_start3A_15 = tpu.memref_slice %arg2[%run_scoped3A, %mul3A_2, %dma_start3A_14] : memref<1x2048x1024xf32, #tpu.memory_space<hbm>> -> memref<1x64x1024xf32, #tpu.memory_space<hbm>>
      %dma_start3A_16 = tpu.memref_squeeze %dma_start3A_15 : memref<1x64x1024xf32, #tpu.memory_space<hbm>> -> memref<64x1024xf32, #tpu.memory_space<hbm>>
      %dma_start3A_17 = arith.constant 0 : i32
      %dma_start3A_18 = tpu.memref_slice %arg2[%run_scoped3A, %mul3A_2, %dma_start3A_17] : memref<1x2048x1024xf32, #tpu.memory_space<hbm>> -> memref<1x64x1024xf32, #tpu.memory_space<hbm>>
      %dma_start3A_19 = tpu.memref_squeeze %dma_start3A_18 : memref<1x64x1024xf32, #tpu.memory_space<hbm>> -> memref<64x1024xf32, #tpu.memory_space<hbm>>
      tpu.enqueue_dma source(%dma_start3A_19 : memref<64x1024xf32, #tpu.memory_space<hbm>>) target(%arg8 : memref<64x1024xf32, #tpu.memory_space<vmem>>) target_semaphore(%run_scoped3A_13 : memref<!tpu.dma_semaphore, #tpu.memory_space<semaphore_mem>>)
      %dma_wait3A_20 = arith.constant 0 : i32
      %dma_wait3A_21 = tpu.memref_slice %arg2[%run_scoped3A, %mul3A_2, %dma_wait3A_20] : memref<1x2048x1024xf32, #tpu.memory_space<hbm>> -> memref<1x64x1024xf32, #tpu.memory_space<hbm>>
      %dma_wait3A_22 = tpu.memref_squeeze %dma_wait3A_21 : memref<1x64x1024xf32, #tpu.memory_space<hbm>> -> memref<64x1024xf32, #tpu.memory_space<hbm>>
      %dma_wait3A_23 = arith.constant 0 : i32
      %dma_wait3A_24 = tpu.memref_slice %arg2[%run_scoped3A, %mul3A_2, %dma_wait3A_23] : memref<1x2048x1024xf32, #tpu.memory_space<hbm>> -> memref<1x64x1024xf32, #tpu.memory_space<hbm>>
      %dma_wait3A_25 = tpu.memref_squeeze %dma_wait3A_24 : memref<1x64x1024xf32, #tpu.memory_space<hbm>> -> memref<64x1024xf32, #tpu.memory_space<hbm>>
      tpu.wait_dma2 semaphore(%run_scoped3A_13 : memref<!tpu.dma_semaphore, #tpu.memory_space<semaphore_mem>>) src(%dma_wait3A_25 : memref<64x1024xf32, #tpu.memory_space<hbm>>) dst(%arg8 : memref<64x1024xf32, #tpu.memory_space<vmem>>)
      tpu.yield
    }) : () -> ()
    "tpu.region"() ({
      %run_scoped3A_13 = tpu.sem_alloc : memref<!tpu.dma_semaphore, #tpu.memory_space<semaphore_mem>>
      %dma_start3A_14 = tpu.memref_slice %arg3[%mul3A_2] : memref<2048xi32, #tpu.memory_space<hbm>> -> memref<64xi32, #tpu.memory_space<hbm>>
      %dma_start3A_15 = tpu.memref_slice %arg3[%mul3A_2] : memref<2048xi32, #tpu.memory_space<hbm>> -> memref<64xi32, #tpu.memory_space<hbm>>
      tpu.enqueue_dma source(%dma_start3A_15 : memref<64xi32, #tpu.memory_space<hbm>>) target(%arg6 : memref<64xi32, #tpu.memory_space<vmem>>) target_semaphore(%run_scoped3A_13 : memref<!tpu.dma_semaphore, #tpu.memory_space<semaphore_mem>>)
      %dma_wait3A_16 = tpu.memref_slice %arg3[%mul3A_2] : memref<2048xi32, #tpu.memory_space<hbm>> -> memref<64xi32, #tpu.memory_space<hbm>>
      %dma_wait3A_17 = tpu.memref_slice %arg3[%mul3A_2] : memref<2048xi32, #tpu.memory_space<hbm>> -> memref<64xi32, #tpu.memory_space<hbm>>
      tpu.wait_dma2 semaphore(%run_scoped3A_13 : memref<!tpu.dma_semaphore, #tpu.memory_space<semaphore_mem>>) src(%dma_wait3A_17 : memref<64xi32, #tpu.memory_space<hbm>>) dst(%arg6 : memref<64xi32, #tpu.memory_space<vmem>>)
      tpu.yield
    }) : () -> ()
    "tpu.region"() ({
      %run_scoped3A_13 = tpu.sem_alloc : memref<!tpu.dma_semaphore, #tpu.memory_space<semaphore_mem>>
      %dma_start3A_14 = tpu.memref_slice %arg4[%mul3A_2] : memref<2048xi32, #tpu.memory_space<hbm>> -> memref<64xi32, #tpu.memory_space<hbm>>
      %dma_start3A_15 = tpu.memref_slice %arg4[%mul3A_2] : memref<2048xi32, #tpu.memory_space<hbm>> -> memref<64xi32, #tpu.memory_space<hbm>>
      tpu.enqueue_dma source(%dma_start3A_15 : memref<64xi32, #tpu.memory_space<hbm>>) target(%arg7 : memref<64xi32, #tpu.memory_space<vmem>>) target_semaphore(%run_scoped3A_13 : memref<!tpu.dma_semaphore, #tpu.memory_space<semaphore_mem>>)
      %dma_wait3A_16 = tpu.memref_slice %arg4[%mul3A_2] : memref<2048xi32, #tpu.memory_space<hbm>> -> memref<64xi32, #tpu.memory_space<hbm>>
      %dma_wait3A_17 = tpu.memref_slice %arg4[%mul3A_2] : memref<2048xi32, #tpu.memory_space<hbm>> -> memref<64xi32, #tpu.memory_space<hbm>>
      tpu.wait_dma2 semaphore(%run_scoped3A_13 : memref<!tpu.dma_semaphore, #tpu.memory_space<semaphore_mem>>) src(%dma_wait3A_17 : memref<64xi32, #tpu.memory_space<hbm>>) dst(%arg7 : memref<64xi32, #tpu.memory_space<vmem>>)
      tpu.yield
    }) : () -> ()
    %dma_start3A = arith.constant 0 : i32
    %dma_start3A_3 = arith.constant 0 : i32
    %dma_start3A_4 = tpu.memref_slice %arg5[%dma_start3A, %dma_start3A_3] : memref<6144x1024xf32, #tpu.memory_space<hbm>> -> memref<6144x1024xf32, #tpu.memory_space<hbm>>
    tpu.enqueue_indirect_dma source(%arg8 : memref<64x1024xf32, #tpu.memory_space<vmem>>) target(%dma_start3A_4 : memref<6144x1024xf32, #tpu.memory_space<hbm>>) offsets(%arg6 : memref<64xi32, #tpu.memory_space<vmem>>) semaphore(%arg9 : memref<!tpu.dma_semaphore, #tpu.memory_space<semaphore_mem>>)
    %dma_wait3A = arith.constant 0 : i32
    %dma_wait3A_5 = arith.constant 0 : i32
    %dma_wait3A_6 = tpu.memref_slice %arg5[%dma_wait3A, %dma_wait3A_5] : memref<6144x1024xf32, #tpu.memory_space<hbm>> -> memref<6144x1024xf32, #tpu.memory_space<hbm>>
    tpu.wait_indirect_dma semaphore(%arg9 : memref<!tpu.dma_semaphore, #tpu.memory_space<semaphore_mem>>) src(%arg8 : memref<64x1024xf32, #tpu.memory_space<vmem>>) dst(%dma_wait3A_6 : memref<6144x1024xf32, #tpu.memory_space<hbm>>)
    %dma_start3A_7 = arith.constant 0 : i32
    %dma_start3A_8 = arith.constant 0 : i32
    %dma_start3A_9 = tpu.memref_slice %arg5[%dma_start3A_7, %dma_start3A_8] : memref<6144x1024xf32, #tpu.memory_space<hbm>> -> memref<6144x1024xf32, #tpu.memory_space<hbm>>
    tpu.enqueue_indirect_dma source(%arg8 : memref<64x1024xf32, #tpu.memory_space<vmem>>) target(%dma_start3A_9 : memref<6144x1024xf32, #tpu.memory_space<hbm>>) offsets(%arg7 : memref<64xi32, #tpu.memory_space<vmem>>) semaphore(%arg9 : memref<!tpu.dma_semaphore, #tpu.memory_space<semaphore_mem>>)
    %dma_wait3A_10 = arith.constant 0 : i32
    %dma_wait3A_11 = arith.constant 0 : i32
    %dma_wait3A_12 = tpu.memref_slice %arg5[%dma_wait3A_10, %dma_wait3A_11] : memref<6144x1024xf32, #tpu.memory_space<hbm>> -> memref<6144x1024xf32, #tpu.memory_space<hbm>>
    tpu.wait_indirect_dma semaphore(%arg9 : memref<!tpu.dma_semaphore, #tpu.memory_space<semaphore_mem>>) src(%arg8 : memref<64x1024xf32, #tpu.memory_space<vmem>>) dst(%dma_wait3A_12 : memref<6144x1024xf32, #tpu.memory_space<hbm>>)
    return
  }
}

module attributes {stable_mosaic.version = 14 : i64} {
  func.func @_gffn_body(%arg0: i32, %arg1: memref<24xi32, #tpu.memory_space<smem>>, %arg2: memref<24xi32, #tpu.memory_space<smem>>, %arg3: memref<24xi32, #tpu.memory_space<smem>>, %arg4: memref<256x1024xf32, #tpu.memory_space<vmem>>, %arg5: memref<1x1024x1024xf32, #tpu.memory_space<vmem>>, %arg6: memref<1x1024x1024xf32, #tpu.memory_space<vmem>>, %arg7: memref<1x1024x1024xf32, #tpu.memory_space<vmem>>, %arg8: memref<256x1024xf32, #tpu.memory_space<vmem>>) attributes {dimension_semantics = [#tpu.dimension_semantics<arbitrary>], iteration_bounds = array<i64: 24>, scalar_prefetch = 3 : i64, scratch_operands = 0 : i64, tpu.core_type = #tpu.core_type<tc>, window_params = [{transform_indices = @transform_0, window_bounds = array<i64: 256, 1024>}, {transform_indices = @transform_1, window_bounds = array<i64: 1, 1024, 1024>}, {transform_indices = @transform_2, window_bounds = array<i64: 1, 1024, 1024>}, {transform_indices = @transform_3, window_bounds = array<i64: 1, 1024, 1024>}, {transform_indices = @transform_4, window_bounds = array<i64: 256, 1024>}]} {
    %get3A = arith.index_cast %arg0 : i32 to index
    %get3A_0 = memref.load %arg2[%get3A] : memref<24xi32, #tpu.memory_space<smem>>
    %ne3A = arith.constant 0 : i32
    %ne3A_1 = arith.cmpi ne, %get3A_0, %ne3A : i32
    %convert_element_type3A = arith.extui %ne3A_1 : i1 to i32
    %cond3A = arith.constant 0 : i32
    %cond3A_2 = arith.cmpi ne, %convert_element_type3A, %cond3A : i32
    scf.if %cond3A_2 {
      %get3A_3 = arith.constant 0 : index
      %get3A_4 = arith.constant 0 : index
      %get3A_5 = vector.load %arg4[%get3A_3, %get3A_4] : memref<256x1024xf32, #tpu.memory_space<vmem>>, vector<256x1024xf32>
      %get3A_6 = arith.constant 0 : index
      %get3A_7 = arith.constant 0 : index
      %get3A_8 = arith.constant 0 : index
      %get3A_9 = vector.load %arg5[%get3A_6, %get3A_7, %get3A_8] : memref<1x1024x1024xf32, #tpu.memory_space<vmem>>, vector<1x1024x1024xf32>
      %get3A_10 = vector.shape_cast %get3A_9 : vector<1x1024x1024xf32> to vector<1024x1024xf32>
      %dot_general3A = arith.constant dense<0.000000e+00> : vector<256x1024xf32>
      %dot_general3A_11 = tpu.matmul %get3A_5, %get3A_10, %dot_general3A {dimension_numbers = #tpu.dot_dimension_numbers<[1], [0], [0], [1], [0, 0, 1, 1], [], []>, transpose_lhs_hint = false} : vector<256x1024xf32>, vector<1024x1024xf32>, vector<256x1024xf32> -> vector<256x1024xf32>
      %get3A_12 = arith.constant 0 : index
      %get3A_13 = arith.constant 0 : index
      %get3A_14 = arith.constant 0 : index
      %get3A_15 = vector.load %arg6[%get3A_12, %get3A_13, %get3A_14] : memref<1x1024x1024xf32, #tpu.memory_space<vmem>>, vector<1x1024x1024xf32>
      %get3A_16 = vector.shape_cast %get3A_15 : vector<1x1024x1024xf32> to vector<1024x1024xf32>
      %dot_general3A_17 = arith.constant dense<0.000000e+00> : vector<256x1024xf32>
      %dot_general3A_18 = tpu.matmul %get3A_5, %get3A_16, %dot_general3A_17 {dimension_numbers = #tpu.dot_dimension_numbers<[1], [0], [0], [1], [0, 0, 1, 1], [], []>, transpose_lhs_hint = false} : vector<256x1024xf32>, vector<1024x1024xf32>, vector<256x1024xf32> -> vector<256x1024xf32>
      %logistic3A = arith.negf %dot_general3A_11 : vector<256x1024xf32>
      %logistic3A_19 = math.exp %logistic3A : vector<256x1024xf32>
      %logistic3A_20 = arith.constant 1.000000e+00 : f32
      %logistic3A_21 = vector.broadcast %logistic3A_20 : f32 to vector<256x1024xf32>
      %logistic3A_22 = arith.addf %logistic3A_21, %logistic3A_19 : vector<256x1024xf32>
      %logistic3A_23 = arith.divf %logistic3A_21, %logistic3A_22 : vector<256x1024xf32>
      %mul3A = arith.mulf %dot_general3A_11, %logistic3A_23 : vector<256x1024xf32>
      %mul3A_24 = arith.mulf %mul3A, %dot_general3A_18 : vector<256x1024xf32>
      %get3A_25 = arith.constant 0 : index
      %get3A_26 = arith.constant 0 : index
      %get3A_27 = arith.constant 0 : index
      %get3A_28 = vector.load %arg7[%get3A_25, %get3A_26, %get3A_27] : memref<1x1024x1024xf32, #tpu.memory_space<vmem>>, vector<1x1024x1024xf32>
      %get3A_29 = vector.shape_cast %get3A_28 : vector<1x1024x1024xf32> to vector<1024x1024xf32>
      %dot_general3A_30 = arith.constant dense<0.000000e+00> : vector<256x1024xf32>
      %dot_general3A_31 = tpu.matmul %mul3A_24, %get3A_29, %dot_general3A_30 {dimension_numbers = #tpu.dot_dimension_numbers<[1], [0], [0], [1], [0, 0, 1, 1], [], []>, transpose_lhs_hint = false} : vector<256x1024xf32>, vector<1024x1024xf32>, vector<256x1024xf32> -> vector<256x1024xf32>
      %swap3A = arith.constant 0 : index
      %swap3A_32 = arith.constant 0 : index
      %swap3A_33 = vector.load %arg8[%swap3A, %swap3A_32] : memref<256x1024xf32, #tpu.memory_space<vmem>>, vector<256x1024xf32>
      tpu.vector_store %arg8[%swap3A, %swap3A_32], %dot_general3A_31 {strides = array<i32>} : memref<256x1024xf32, #tpu.memory_space<vmem>>, vector<256x1024xf32>,
    } else {
    }
    return
  }
  func.func @transform_0(%arg0: i32, %arg1: memref<24xi32, #tpu.memory_space<smem>>, %arg2: memref<24xi32, #tpu.memory_space<smem>>, %arg3: memref<24xi32, #tpu.memory_space<smem>>) -> (i32, i32) {
    %get3A = arith.index_cast %arg0 : i32 to index
    %get3A_0 = memref.load %arg3[%get3A] : memref<24xi32, #tpu.memory_space<smem>>
    %c0_i32 = arith.constant 0 : i32
    %c0_i32_1 = arith.constant 0 : i32
    return %get3A_0, %c0_i32 : i32, i32
  }
  func.func @transform_1(%arg0: i32, %arg1: memref<24xi32, #tpu.memory_space<smem>>, %arg2: memref<24xi32, #tpu.memory_space<smem>>, %arg3: memref<24xi32, #tpu.memory_space<smem>>) -> (i32, i32, i32) {
    %get3A = arith.index_cast %arg0 : i32 to index
    %get3A_0 = memref.load %arg1[%get3A] : memref<24xi32, #tpu.memory_space<smem>>
    %c0_i32 = arith.constant 0 : i32
    %c0_i32_1 = arith.constant 0 : i32
    %c0_i32_2 = arith.constant 0 : i32
    return %get3A_0, %c0_i32, %c0_i32_1 : i32, i32, i32
  }
  func.func @transform_2(%arg0: i32, %arg1: memref<24xi32, #tpu.memory_space<smem>>, %arg2: memref<24xi32, #tpu.memory_space<smem>>, %arg3: memref<24xi32, #tpu.memory_space<smem>>) -> (i32, i32, i32) {
    %get3A = arith.index_cast %arg0 : i32 to index
    %get3A_0 = memref.load %arg1[%get3A] : memref<24xi32, #tpu.memory_space<smem>>
    %c0_i32 = arith.constant 0 : i32
    %c0_i32_1 = arith.constant 0 : i32
    %c0_i32_2 = arith.constant 0 : i32
    return %get3A_0, %c0_i32, %c0_i32_1 : i32, i32, i32
  }
  func.func @transform_3(%arg0: i32, %arg1: memref<24xi32, #tpu.memory_space<smem>>, %arg2: memref<24xi32, #tpu.memory_space<smem>>, %arg3: memref<24xi32, #tpu.memory_space<smem>>) -> (i32, i32, i32) {
    %get3A = arith.index_cast %arg0 : i32 to index
    %get3A_0 = memref.load %arg1[%get3A] : memref<24xi32, #tpu.memory_space<smem>>
    %c0_i32 = arith.constant 0 : i32
    %c0_i32_1 = arith.constant 0 : i32
    %c0_i32_2 = arith.constant 0 : i32
    return %get3A_0, %c0_i32, %c0_i32_1 : i32, i32, i32
  }
  func.func @transform_4(%arg0: i32, %arg1: memref<24xi32, #tpu.memory_space<smem>>, %arg2: memref<24xi32, #tpu.memory_space<smem>>, %arg3: memref<24xi32, #tpu.memory_space<smem>>) -> (i32, i32) {
    %get3A = arith.index_cast %arg0 : i32 to index
    %get3A_0 = memref.load %arg3[%get3A] : memref<24xi32, #tpu.memory_space<smem>>
    %c0_i32 = arith.constant 0 : i32
    %c0_i32_1 = arith.constant 0 : i32
    return %get3A_0, %c0_i32 : i32, i32
  }
}

module attributes {stable_mosaic.version = 14 : i64} {
  func.func @_router_body(%arg0: memref<1x2048x1024xf32, #tpu.memory_space<vmem>>, %arg1: memref<1024x8xf32, #tpu.memory_space<vmem>>, %arg2: memref<1x2048xf32, #tpu.memory_space<vmem>>, %arg3: memref<1x2048xf32, #tpu.memory_space<vmem>>, %arg4: memref<1x2048xi32, #tpu.memory_space<vmem>>, %arg5: memref<1x2048xi32, #tpu.memory_space<vmem>>, %arg6: memref<1x24xi32, #tpu.memory_space<vmem>>, %arg7: memref<1x24xi32, #tpu.memory_space<vmem>>, %arg8: memref<1x24xi32, #tpu.memory_space<vmem>>, %arg9: memref<1x1xf32, #tpu.memory_space<vmem>>) attributes {dimension_semantics = [], scalar_prefetch = 0 : i64, scratch_operands = 0 : i64, tpu.core_type = #tpu.core_type<tc>} {
    %get3A = arith.constant 0 : index
    %get3A_0 = arith.constant 0 : index
    %get3A_1 = arith.constant 0 : index
    %get3A_2 = vector.load %arg0[%get3A, %get3A_0, %get3A_1] : memref<1x2048x1024xf32, #tpu.memory_space<vmem>>, vector<1x2048x1024xf32>
    %get3A_3 = vector.shape_cast %get3A_2 : vector<1x2048x1024xf32> to vector<2048x1024xf32>
    %get3A_4 = arith.constant 0 : index
    %get3A_5 = arith.constant 0 : index
    %get3A_6 = vector.load %arg1[%get3A_4, %get3A_5] : memref<1024x8xf32, #tpu.memory_space<vmem>>, vector<1024x8xf32>
    %dot_general3A = arith.constant dense<0.000000e+00> : vector<8x2048xf32>
    %dot_general3A_7 = tpu.matmul %get3A_6, %get3A_3, %dot_general3A {dimension_numbers = #tpu.dot_dimension_numbers<[0], [1], [1], [0], [0, 1, 1, 0], [], []>, transpose_lhs_hint = false} : vector<1024x8xf32>, vector<2048x1024xf32>, vector<8x2048xf32> -> vector<8x2048xf32>
    %reduce_max3A = arith.constant dense<0xFF800000> : vector<2048xf32>
    %reduce_max3A_8 = vector.multi_reduction <maximumf>, %dot_general3A_7, %reduce_max3A [0] : vector<8x2048xf32> to vector<2048xf32>
    %broadcast_in_dim3A = vector.shape_cast %reduce_max3A_8 : vector<2048xf32> to vector<1x2048xf32>
    %sub3A = vector.broadcast %broadcast_in_dim3A : vector<1x2048xf32> to vector<8x2048xf32>
    %sub3A_9 = arith.subf %dot_general3A_7, %sub3A : vector<8x2048xf32>
    %exp3A = math.exp %sub3A_9 : vector<8x2048xf32>
    %reduce_sum3A = arith.constant dense<0.000000e+00> : vector<2048xf32>
    %reduce_sum3A_10 = vector.multi_reduction <add>, %exp3A, %reduce_sum3A [0] : vector<8x2048xf32> to vector<2048xf32>
    %broadcast_in_dim3A_11 = vector.shape_cast %reduce_sum3A_10 : vector<2048xf32> to vector<1x2048xf32>
    %div3A = vector.broadcast %broadcast_in_dim3A_11 : vector<1x2048xf32> to vector<8x2048xf32>
    %div3A_12 = arith.divf %exp3A, %div3A : vector<8x2048xf32>
    %iota3A = tpu.iota {dimensions = array<i32: 0>} : vector<8x2048xi32>
    %broadcast_in_dim3A_13 = arith.constant 0.000000e+00 : f32
    %broadcast_in_dim3A_14 = vector.broadcast %broadcast_in_dim3A_13 : f32 to vector<8x2048xf32>
    %slice3A = vector.extract_strided_slice %div3A_12 {offsets = [0, 0], sizes = [1, 2048], strides = [1, 1]} : vector<8x2048xf32> to vector<1x2048xf32>
    %gt3A = vector.broadcast %slice3A : vector<1x2048xf32> to vector<8x2048xf32>
    %gt3A_15 = arith.cmpf ogt, %gt3A, %div3A_12 : vector<8x2048xf32>
    %convert_element_type3A = arith.extui %gt3A_15 : vector<8x2048xi1> to vector<8x2048xi32>
    %convert_element_type3A_16 = arith.sitofp %convert_element_type3A : vector<8x2048xi32> to vector<8x2048xf32>
    %add3A = arith.addf %broadcast_in_dim3A_14, %convert_element_type3A_16 : vector<8x2048xf32>
    %eq3A = vector.broadcast %slice3A : vector<1x2048xf32> to vector<8x2048xf32>
    %eq3A_17 = arith.cmpf oeq, %eq3A, %div3A_12 : vector<8x2048xf32>
    %gt3A_18 = arith.constant 0 : i32
    %gt3A_19 = vector.broadcast %gt3A_18 : i32 to vector<8x2048xi32>
    %gt3A_20 = arith.cmpi sgt, %iota3A, %gt3A_19 : vector<8x2048xi32>
    %and3A = arith.andi %eq3A_17, %gt3A_20 : vector<8x2048xi1>
    %convert_element_type3A_21 = arith.extui %and3A : vector<8x2048xi1> to vector<8x2048xi32>
    %convert_element_type3A_22 = arith.sitofp %convert_element_type3A_21 : vector<8x2048xi32> to vector<8x2048xf32>
    %add3A_23 = arith.addf %add3A, %convert_element_type3A_22 : vector<8x2048xf32>
    %slice3A_24 = vector.extract_strided_slice %div3A_12 {offsets = [1, 0], sizes = [1, 2048], strides = [1, 1]} : vector<8x2048xf32> to vector<1x2048xf32>
    %gt3A_25 = vector.broadcast %slice3A_24 : vector<1x2048xf32> to vector<8x2048xf32>
    %gt3A_26 = arith.cmpf ogt, %gt3A_25, %div3A_12 : vector<8x2048xf32>
    %convert_element_type3A_27 = arith.extui %gt3A_26 : vector<8x2048xi1> to vector<8x2048xi32>
    %convert_element_type3A_28 = arith.sitofp %convert_element_type3A_27 : vector<8x2048xi32> to vector<8x2048xf32>
    %add3A_29 = arith.addf %add3A_23, %convert_element_type3A_28 : vector<8x2048xf32>
    %eq3A_30 = vector.broadcast %slice3A_24 : vector<1x2048xf32> to vector<8x2048xf32>
    %eq3A_31 = arith.cmpf oeq, %eq3A_30, %div3A_12 : vector<8x2048xf32>
    %gt3A_32 = arith.constant 1 : i32
    %gt3A_33 = vector.broadcast %gt3A_32 : i32 to vector<8x2048xi32>
    %gt3A_34 = arith.cmpi sgt, %iota3A, %gt3A_33 : vector<8x2048xi32>
    %and3A_35 = arith.andi %eq3A_31, %gt3A_34 : vector<8x2048xi1>
    %convert_element_type3A_36 = arith.extui %and3A_35 : vector<8x2048xi1> to vector<8x2048xi32>
    %convert_element_type3A_37 = arith.sitofp %convert_element_type3A_36 : vector<8x2048xi32> to vector<8x2048xf32>
    %add3A_38 = arith.addf %add3A_29, %convert_element_type3A_37 : vector<8x2048xf32>
    %slice3A_39 = vector.extract_strided_slice %div3A_12 {offsets = [2, 0], sizes = [1, 2048], strides = [1, 1]} : vector<8x2048xf32> to vector<1x2048xf32>
    %gt3A_40 = vector.broadcast %slice3A_39 : vector<1x2048xf32> to vector<8x2048xf32>
    %gt3A_41 = arith.cmpf ogt, %gt3A_40, %div3A_12 : vector<8x2048xf32>
    %convert_element_type3A_42 = arith.extui %gt3A_41 : vector<8x2048xi1> to vector<8x2048xi32>
    %convert_element_type3A_43 = arith.sitofp %convert_element_type3A_42 : vector<8x2048xi32> to vector<8x2048xf32>
    %add3A_44 = arith.addf %add3A_38, %convert_element_type3A_43 : vector<8x2048xf32>
    %eq3A_45 = vector.broadcast %slice3A_39 : vector<1x2048xf32> to vector<8x2048xf32>
    %eq3A_46 = arith.cmpf oeq, %eq3A_45, %div3A_12 : vector<8x2048xf32>
    %gt3A_47 = arith.constant 2 : i32
    %gt3A_48 = vector.broadcast %gt3A_47 : i32 to vector<8x2048xi32>
    %gt3A_49 = arith.cmpi sgt, %iota3A, %gt3A_48 : vector<8x2048xi32>
    %and3A_50 = arith.andi %eq3A_46, %gt3A_49 : vector<8x2048xi1>
    %convert_element_type3A_51 = arith.extui %and3A_50 : vector<8x2048xi1> to vector<8x2048xi32>
    %convert_element_type3A_52 = arith.sitofp %convert_element_type3A_51 : vector<8x2048xi32> to vector<8x2048xf32>
    %add3A_53 = arith.addf %add3A_44, %convert_element_type3A_52 : vector<8x2048xf32>
    %slice3A_54 = vector.extract_strided_slice %div3A_12 {offsets = [3, 0], sizes = [1, 2048], strides = [1, 1]} : vector<8x2048xf32> to vector<1x2048xf32>
    %gt3A_55 = vector.broadcast %slice3A_54 : vector<1x2048xf32> to vector<8x2048xf32>
    %gt3A_56 = arith.cmpf ogt, %gt3A_55, %div3A_12 : vector<8x2048xf32>
    %convert_element_type3A_57 = arith.extui %gt3A_56 : vector<8x2048xi1> to vector<8x2048xi32>
    %convert_element_type3A_58 = arith.sitofp %convert_element_type3A_57 : vector<8x2048xi32> to vector<8x2048xf32>
    %add3A_59 = arith.addf %add3A_53, %convert_element_type3A_58 : vector<8x2048xf32>
    %eq3A_60 = vector.broadcast %slice3A_54 : vector<1x2048xf32> to vector<8x2048xf32>
    %eq3A_61 = arith.cmpf oeq, %eq3A_60, %div3A_12 : vector<8x2048xf32>
    %gt3A_62 = arith.constant 3 : i32
    %gt3A_63 = vector.broadcast %gt3A_62 : i32 to vector<8x2048xi32>
    %gt3A_64 = arith.cmpi sgt, %iota3A, %gt3A_63 : vector<8x2048xi32>
    %and3A_65 = arith.andi %eq3A_61, %gt3A_64 : vector<8x2048xi1>
    %convert_element_type3A_66 = arith.extui %and3A_65 : vector<8x2048xi1> to vector<8x2048xi32>
    %convert_element_type3A_67 = arith.sitofp %convert_element_type3A_66 : vector<8x2048xi32> to vector<8x2048xf32>
    %add3A_68 = arith.addf %add3A_59, %convert_element_type3A_67 : vector<8x2048xf32>
    %slice3A_69 = vector.extract_strided_slice %div3A_12 {offsets = [4, 0], sizes = [1, 2048], strides = [1, 1]} : vector<8x2048xf32> to vector<1x2048xf32>
    %gt3A_70 = vector.broadcast %slice3A_69 : vector<1x2048xf32> to vector<8x2048xf32>
    %gt3A_71 = arith.cmpf ogt, %gt3A_70, %div3A_12 : vector<8x2048xf32>
    %convert_element_type3A_72 = arith.extui %gt3A_71 : vector<8x2048xi1> to vector<8x2048xi32>
    %convert_element_type3A_73 = arith.sitofp %convert_element_type3A_72 : vector<8x2048xi32> to vector<8x2048xf32>
    %add3A_74 = arith.addf %add3A_68, %convert_element_type3A_73 : vector<8x2048xf32>
    %eq3A_75 = vector.broadcast %slice3A_69 : vector<1x2048xf32> to vector<8x2048xf32>
    %eq3A_76 = arith.cmpf oeq, %eq3A_75, %div3A_12 : vector<8x2048xf32>
    %gt3A_77 = arith.constant 4 : i32
    %gt3A_78 = vector.broadcast %gt3A_77 : i32 to vector<8x2048xi32>
    %gt3A_79 = arith.cmpi sgt, %iota3A, %gt3A_78 : vector<8x2048xi32>
    %and3A_80 = arith.andi %eq3A_76, %gt3A_79 : vector<8x2048xi1>
    %convert_element_type3A_81 = arith.extui %and3A_80 : vector<8x2048xi1> to vector<8x2048xi32>
    %convert_element_type3A_82 = arith.sitofp %convert_element_type3A_81 : vector<8x2048xi32> to vector<8x2048xf32>
    %add3A_83 = arith.addf %add3A_74, %convert_element_type3A_82 : vector<8x2048xf32>
    %slice3A_84 = vector.extract_strided_slice %div3A_12 {offsets = [5, 0], sizes = [1, 2048], strides = [1, 1]} : vector<8x2048xf32> to vector<1x2048xf32>
    %gt3A_85 = vector.broadcast %slice3A_84 : vector<1x2048xf32> to vector<8x2048xf32>
    %gt3A_86 = arith.cmpf ogt, %gt3A_85, %div3A_12 : vector<8x2048xf32>
    %convert_element_type3A_87 = arith.extui %gt3A_86 : vector<8x2048xi1> to vector<8x2048xi32>
    %convert_element_type3A_88 = arith.sitofp %convert_element_type3A_87 : vector<8x2048xi32> to vector<8x2048xf32>
    %add3A_89 = arith.addf %add3A_83, %convert_element_type3A_88 : vector<8x2048xf32>
    %eq3A_90 = vector.broadcast %slice3A_84 : vector<1x2048xf32> to vector<8x2048xf32>
    %eq3A_91 = arith.cmpf oeq, %eq3A_90, %div3A_12 : vector<8x2048xf32>
    %gt3A_92 = arith.constant 5 : i32
    %gt3A_93 = vector.broadcast %gt3A_92 : i32 to vector<8x2048xi32>
    %gt3A_94 = arith.cmpi sgt, %iota3A, %gt3A_93 : vector<8x2048xi32>
    %and3A_95 = arith.andi %eq3A_91, %gt3A_94 : vector<8x2048xi1>
    %convert_element_type3A_96 = arith.extui %and3A_95 : vector<8x2048xi1> to vector<8x2048xi32>
    %convert_element_type3A_97 = arith.sitofp %convert_element_type3A_96 : vector<8x2048xi32> to vector<8x2048xf32>
    %add3A_98 = arith.addf %add3A_89, %convert_element_type3A_97 : vector<8x2048xf32>
    %slice3A_99 = vector.extract_strided_slice %div3A_12 {offsets = [6, 0], sizes = [1, 2048], strides = [1, 1]} : vector<8x2048xf32> to vector<1x2048xf32>
    %gt3A_100 = vector.broadcast %slice3A_99 : vector<1x2048xf32> to vector<8x2048xf32>
    %gt3A_101 = arith.cmpf ogt, %gt3A_100, %div3A_12 : vector<8x2048xf32>
    %convert_element_type3A_102 = arith.extui %gt3A_101 : vector<8x2048xi1> to vector<8x2048xi32>
    %convert_element_type3A_103 = arith.sitofp %convert_element_type3A_102 : vector<8x2048xi32> to vector<8x2048xf32>
    %add3A_104 = arith.addf %add3A_98, %convert_element_type3A_103 : vector<8x2048xf32>
    %eq3A_105 = vector.broadcast %slice3A_99 : vector<1x2048xf32> to vector<8x2048xf32>
    %eq3A_106 = arith.cmpf oeq, %eq3A_105, %div3A_12 : vector<8x2048xf32>
    %gt3A_107 = arith.constant 6 : i32
    %gt3A_108 = vector.broadcast %gt3A_107 : i32 to vector<8x2048xi32>
    %gt3A_109 = arith.cmpi sgt, %iota3A, %gt3A_108 : vector<8x2048xi32>
    %and3A_110 = arith.andi %eq3A_106, %gt3A_109 : vector<8x2048xi1>
    %convert_element_type3A_111 = arith.extui %and3A_110 : vector<8x2048xi1> to vector<8x2048xi32>
    %convert_element_type3A_112 = arith.sitofp %convert_element_type3A_111 : vector<8x2048xi32> to vector<8x2048xf32>
    %add3A_113 = arith.addf %add3A_104, %convert_element_type3A_112 : vector<8x2048xf32>
    %slice3A_114 = vector.extract_strided_slice %div3A_12 {offsets = [7, 0], sizes = [1, 2048], strides = [1, 1]} : vector<8x2048xf32> to vector<1x2048xf32>
    %gt3A_115 = vector.broadcast %slice3A_114 : vector<1x2048xf32> to vector<8x2048xf32>
    %gt3A_116 = arith.cmpf ogt, %gt3A_115, %div3A_12 : vector<8x2048xf32>
    %convert_element_type3A_117 = arith.extui %gt3A_116 : vector<8x2048xi1> to vector<8x2048xi32>
    %convert_element_type3A_118 = arith.sitofp %convert_element_type3A_117 : vector<8x2048xi32> to vector<8x2048xf32>
    %add3A_119 = arith.addf %add3A_113, %convert_element_type3A_118 : vector<8x2048xf32>
    %eq3A_120 = vector.broadcast %slice3A_114 : vector<1x2048xf32> to vector<8x2048xf32>
    %eq3A_121 = arith.cmpf oeq, %eq3A_120, %div3A_12 : vector<8x2048xf32>
    %gt3A_122 = arith.constant 7 : i32
    %gt3A_123 = vector.broadcast %gt3A_122 : i32 to vector<8x2048xi32>
    %gt3A_124 = arith.cmpi sgt, %iota3A, %gt3A_123 : vector<8x2048xi32>
    %and3A_125 = arith.andi %eq3A_121, %gt3A_124 : vector<8x2048xi1>
    %convert_element_type3A_126 = arith.extui %and3A_125 : vector<8x2048xi1> to vector<8x2048xi32>
    %convert_element_type3A_127 = arith.sitofp %convert_element_type3A_126 : vector<8x2048xi32> to vector<8x2048xf32>
    %add3A_128 = arith.addf %add3A_119, %convert_element_type3A_127 : vector<8x2048xf32>
    %lt3A = arith.constant 2.000000e+00 : f32
    %lt3A_129 = vector.broadcast %lt3A : f32 to vector<8x2048xf32>
    %lt3A_130 = arith.cmpf olt, %add3A_128, %lt3A_129 : vector<8x2048xf32>
    %convert_element_type3A_131 = arith.extui %lt3A_130 : vector<8x2048xi1> to vector<8x2048xi32>
    %convert_element_type3A_132 = arith.sitofp %convert_element_type3A_131 : vector<8x2048xi32> to vector<8x2048xf32>
    %jit3A = arith.constant 0.000000e+00 : f32
    %broadcast_in_dim3A_133 = vector.broadcast %jit3A : f32 to vector<8x2048xf32>
    %select_n3A = arith.select %lt3A_130, %div3A_12, %broadcast_in_dim3A_133 : vector<8x2048xi1>, vector<8x2048xf32>
    %reduce_sum3A_134 = arith.constant dense<0.000000e+00> : vector<2048xf32>
    %reduce_sum3A_135 = vector.multi_reduction <add>, %select_n3A, %reduce_sum3A_134 [0] : vector<8x2048xf32> to vector<2048xf32>
    %broadcast_in_dim3A_136 = vector.shape_cast %reduce_sum3A_135 : vector<2048xf32> to vector<1x2048xf32>
    %div3A_137 = vector.broadcast %broadcast_in_dim3A_136 : vector<1x2048xf32> to vector<8x2048xf32>
    %div3A_138 = arith.divf %select_n3A, %div3A_137 : vector<8x2048xf32>
    %reduce_sum3A_139 = arith.constant dense<0.000000e+00> : vector<8xf32>
    %reduce_sum3A_140 = vector.multi_reduction <add>, %convert_element_type3A_132, %reduce_sum3A_139 [1] : vector<8x2048xf32> to vector<8xf32>
    %broadcast_in_dim3A_141 = vector.shape_cast %reduce_sum3A_140 : vector<8xf32> to vector<8x1xf32>
    %reduce_sum3A_142 = arith.constant dense<0.000000e+00> : vector<8xf32>
    %reduce_sum3A_143 = vector.multi_reduction <add>, %div3A_12, %reduce_sum3A_142 [1] : vector<8x2048xf32> to vector<8xf32>
    %broadcast_in_dim3A_144 = vector.shape_cast %reduce_sum3A_143 : vector<8xf32> to vector<8x1xf32>
    %div3A_145 = arith.constant 2.048000e+03 : f32
    %div3A_146 = vector.broadcast %div3A_145 : f32 to vector<8x1xf32>
    %div3A_147 = arith.divf %broadcast_in_dim3A_144, %div3A_146 : vector<8x1xf32>
    %mul3A = arith.mulf %broadcast_in_dim3A_141, %div3A_147 : vector<8x1xf32>
    %reduce_sum3A_148 = vector.shape_cast %mul3A : vector<8x1xf32> to vector<1x8x1xf32>
    %reduce_sum3A_149 = arith.constant dense<0.000000e+00> : vector<1xf32>
    %reduce_sum3A_150 = vector.multi_reduction <add>, %reduce_sum3A_148, %reduce_sum3A_149 [1, 2] : vector<1x8x1xf32> to vector<1xf32>
    %reduce_sum3A_151 = vector.shape_cast %reduce_sum3A_150 : vector<1xf32> to vector<1x1x1xf32>
    %reduce_sum3A_152 = vector.extract %reduce_sum3A_151[0, 0, 0] : f32 from vector<1x1x1xf32>
    %broadcast_in_dim3A_153 = vector.broadcast %reduce_sum3A_152 : f32 to vector<1x1xf32>
    %mul3A_154 = arith.constant 3.906250e-05 : f32
    %mul3A_155 = vector.broadcast %mul3A_154 : f32 to vector<1x1xf32>
    %mul3A_156 = arith.mulf %broadcast_in_dim3A_153, %mul3A_155 : vector<1x1xf32>
    %swap3A = arith.constant 0 : index
    %swap3A_157 = arith.constant 0 : index
    %swap3A_158 = vector.load %arg9[%swap3A, %swap3A_157] : memref<1x1xf32, #tpu.memory_space<vmem>>, vector<1x1xf32>
    tpu.vector_store %arg9[%swap3A, %swap3A_157], %mul3A_156 {strides = array<i32>} : memref<1x1xf32, #tpu.memory_space<vmem>>, vector<1x1xf32>,
    %broadcast_in_dim3A_159 = arith.constant 0.000000e+00 : f32
    %broadcast_in_dim3A_160 = vector.broadcast %broadcast_in_dim3A_159 : f32 to vector<8x1xf32>
    %slice3A_161 = vector.extract_strided_slice %convert_element_type3A_132 {offsets = [0, 0], sizes = [8, 2047], strides = [1, 1]} : vector<8x2048xf32> to vector<8x2047xf32>
    %concatenate3A = tpu.concatenate %broadcast_in_dim3A_160, %slice3A_161 in 1 : vector<8x1xf32>, vector<8x2047xf32> -> vector<8x2048xf32>
    %add3A_162 = arith.addf %convert_element_type3A_132, %concatenate3A : vector<8x2048xf32>
    %broadcast_in_dim3A_163 = arith.constant 0.000000e+00 : f32
    %broadcast_in_dim3A_164 = vector.broadcast %broadcast_in_dim3A_163 : f32 to vector<8x2xf32>
    %slice3A_165 = vector.extract_strided_slice %add3A_162 {offsets = [0, 0], sizes = [8, 2046], strides = [1, 1]} : vector<8x2048xf32> to vector<8x2046xf32>
    %concatenate3A_166 = tpu.concatenate %broadcast_in_dim3A_164, %slice3A_165 in 1 : vector<8x2xf32>, vector<8x2046xf32> -> vector<8x2048xf32>
    %add3A_167 = arith.addf %add3A_162, %concatenate3A_166 : vector<8x2048xf32>
    %broadcast_in_dim3A_168 = arith.constant 0.000000e+00 : f32
    %broadcast_in_dim3A_169 = vector.broadcast %broadcast_in_dim3A_168 : f32 to vector<8x4xf32>
    %slice3A_170 = vector.extract_strided_slice %add3A_167 {offsets = [0, 0], sizes = [8, 2044], strides = [1, 1]} : vector<8x2048xf32> to vector<8x2044xf32>
    %concatenate3A_171 = tpu.concatenate %broadcast_in_dim3A_169, %slice3A_170 in 1 : vector<8x4xf32>, vector<8x2044xf32> -> vector<8x2048xf32>
    %add3A_172 = arith.addf %add3A_167, %concatenate3A_171 : vector<8x2048xf32>
    %broadcast_in_dim3A_173 = arith.constant 0.000000e+00 : f32
    %broadcast_in_dim3A_174 = vector.broadcast %broadcast_in_dim3A_173 : f32 to vector<8x8xf32>
    %slice3A_175 = vector.extract_strided_slice %add3A_172 {offsets = [0, 0], sizes = [8, 2040], strides = [1, 1]} : vector<8x2048xf32> to vector<8x2040xf32>
    %concatenate3A_176 = tpu.concatenate %broadcast_in_dim3A_174, %slice3A_175 in 1 : vector<8x8xf32>, vector<8x2040xf32> -> vector<8x2048xf32>
    %add3A_177 = arith.addf %add3A_172, %concatenate3A_176 : vector<8x2048xf32>
    %broadcast_in_dim3A_178 = arith.constant 0.000000e+00 : f32
    %broadcast_in_dim3A_179 = vector.broadcast %broadcast_in_dim3A_178 : f32 to vector<8x16xf32>
    %slice3A_180 = vector.extract_strided_slice %add3A_177 {offsets = [0, 0], sizes = [8, 2032], strides = [1, 1]} : vector<8x2048xf32> to vector<8x2032xf32>
    %concatenate3A_181 = tpu.concatenate %broadcast_in_dim3A_179, %slice3A_180 in 1 : vector<8x16xf32>, vector<8x2032xf32> -> vector<8x2048xf32>
    %add3A_182 = arith.addf %add3A_177, %concatenate3A_181 : vector<8x2048xf32>
    %broadcast_in_dim3A_183 = arith.constant 0.000000e+00 : f32
    %broadcast_in_dim3A_184 = vector.broadcast %broadcast_in_dim3A_183 : f32 to vector<8x32xf32>
    %slice3A_185 = vector.extract_strided_slice %add3A_182 {offsets = [0, 0], sizes = [8, 2016], strides = [1, 1]} : vector<8x2048xf32> to vector<8x2016xf32>
    %concatenate3A_186 = tpu.concatenate %broadcast_in_dim3A_184, %slice3A_185 in 1 : vector<8x32xf32>, vector<8x2016xf32> -> vector<8x2048xf32>
    %add3A_187 = arith.addf %add3A_182, %concatenate3A_186 : vector<8x2048xf32>
    %broadcast_in_dim3A_188 = arith.constant 0.000000e+00 : f32
    %broadcast_in_dim3A_189 = vector.broadcast %broadcast_in_dim3A_188 : f32 to vector<8x64xf32>
    %slice3A_190 = vector.extract_strided_slice %add3A_187 {offsets = [0, 0], sizes = [8, 1984], strides = [1, 1]} : vector<8x2048xf32> to vector<8x1984xf32>
    %concatenate3A_191 = tpu.concatenate %broadcast_in_dim3A_189, %slice3A_190 in 1 : vector<8x64xf32>, vector<8x1984xf32> -> vector<8x2048xf32>
    %add3A_192 = arith.addf %add3A_187, %concatenate3A_191 : vector<8x2048xf32>
    %broadcast_in_dim3A_193 = arith.constant 0.000000e+00 : f32
    %broadcast_in_dim3A_194 = vector.broadcast %broadcast_in_dim3A_193 : f32 to vector<8x128xf32>
    %slice3A_195 = vector.extract_strided_slice %add3A_192 {offsets = [0, 0], sizes = [8, 1920], strides = [1, 1]} : vector<8x2048xf32> to vector<8x1920xf32>
    %concatenate3A_196 = tpu.concatenate %broadcast_in_dim3A_194, %slice3A_195 in 1 : vector<8x128xf32>, vector<8x1920xf32> -> vector<8x2048xf32>
    %add3A_197 = arith.addf %add3A_192, %concatenate3A_196 : vector<8x2048xf32>
    %broadcast_in_dim3A_198 = arith.constant 0.000000e+00 : f32
    %broadcast_in_dim3A_199 = vector.broadcast %broadcast_in_dim3A_198 : f32 to vector<8x256xf32>
    %slice3A_200 = vector.extract_strided_slice %add3A_197 {offsets = [0, 0], sizes = [8, 1792], strides = [1, 1]} : vector<8x2048xf32> to vector<8x1792xf32>
    %concatenate3A_201 = tpu.concatenate %broadcast_in_dim3A_199, %slice3A_200 in 1 : vector<8x256xf32>, vector<8x1792xf32> -> vector<8x2048xf32>
    %add3A_202 = arith.addf %add3A_197, %concatenate3A_201 : vector<8x2048xf32>
    %broadcast_in_dim3A_203 = arith.constant 0.000000e+00 : f32
    %broadcast_in_dim3A_204 = vector.broadcast %broadcast_in_dim3A_203 : f32 to vector<8x512xf32>
    %slice3A_205 = vector.extract_strided_slice %add3A_202 {offsets = [0, 0], sizes = [8, 1536], strides = [1, 1]} : vector<8x2048xf32> to vector<8x1536xf32>
    %concatenate3A_206 = tpu.concatenate %broadcast_in_dim3A_204, %slice3A_205 in 1 : vector<8x512xf32>, vector<8x1536xf32> -> vector<8x2048xf32>
    %add3A_207 = arith.addf %add3A_202, %concatenate3A_206 : vector<8x2048xf32>
    %broadcast_in_dim3A_208 = arith.constant 0.000000e+00 : f32
    %broadcast_in_dim3A_209 = vector.broadcast %broadcast_in_dim3A_208 : f32 to vector<8x1024xf32>
    %slice3A_210 = vector.extract_strided_slice %add3A_207 {offsets = [0, 0], sizes = [8, 1024], strides = [1, 1]} : vector<8x2048xf32> to vector<8x1024xf32>
    %concatenate3A_211 = tpu.concatenate %broadcast_in_dim3A_209, %slice3A_210 in 1 : vector<8x1024xf32>, vector<8x1024xf32> -> vector<8x2048xf32>
    %add3A_212 = arith.addf %add3A_207, %concatenate3A_211 : vector<8x2048xf32>
    %sub3A_213 = arith.subf %add3A_212, %convert_element_type3A_132 : vector<8x2048xf32>
    %broadcast_in_dim3A_214 = arith.constant 0.000000e+00 : f32
    %broadcast_in_dim3A_215 = vector.broadcast %broadcast_in_dim3A_214 : f32 to vector<1x2048xf32>
    %slice3A_216 = vector.extract_strided_slice %convert_element_type3A_132 {offsets = [0, 0], sizes = [7, 2048], strides = [1, 1]} : vector<8x2048xf32> to vector<7x2048xf32>
    %concatenate3A_217 = tpu.concatenate %broadcast_in_dim3A_215, %slice3A_216 in 0 : vector<1x2048xf32>, vector<7x2048xf32> -> vector<8x2048xf32>
    %add3A_218 = arith.addf %convert_element_type3A_132, %concatenate3A_217 : vector<8x2048xf32>
    %broadcast_in_dim3A_219 = arith.constant 0.000000e+00 : f32
    %broadcast_in_dim3A_220 = vector.broadcast %broadcast_in_dim3A_219 : f32 to vector<2x2048xf32>
    %slice3A_221 = vector.extract_strided_slice %add3A_218 {offsets = [0, 0], sizes = [6, 2048], strides = [1, 1]} : vector<8x2048xf32> to vector<6x2048xf32>
    %concatenate3A_222 = tpu.concatenate %broadcast_in_dim3A_220, %slice3A_221 in 0 : vector<2x2048xf32>, vector<6x2048xf32> -> vector<8x2048xf32>
    %add3A_223 = arith.addf %add3A_218, %concatenate3A_222 : vector<8x2048xf32>
    %broadcast_in_dim3A_224 = arith.constant 0.000000e+00 : f32
    %broadcast_in_dim3A_225 = vector.broadcast %broadcast_in_dim3A_224 : f32 to vector<4x2048xf32>
    %slice3A_226 = vector.extract_strided_slice %add3A_223 {offsets = [0, 0], sizes = [4, 2048], strides = [1, 1]} : vector<8x2048xf32> to vector<4x2048xf32>
    %concatenate3A_227 = tpu.concatenate %broadcast_in_dim3A_225, %slice3A_226 in 0 : vector<4x2048xf32>, vector<4x2048xf32> -> vector<8x2048xf32>
    %add3A_228 = arith.addf %add3A_223, %concatenate3A_227 : vector<8x2048xf32>
    %eq3A_229 = arith.constant 1.000000e+00 : f32
    %eq3A_230 = vector.broadcast %eq3A_229 : f32 to vector<8x2048xf32>
    %eq3A_231 = arith.cmpf oeq, %add3A_228, %eq3A_230 : vector<8x2048xf32>
    %and3A_232 = arith.andi %lt3A_130, %eq3A_231 : vector<8x2048xi1>
    %eq3A_233 = arith.constant 2.000000e+00 : f32
    %eq3A_234 = vector.broadcast %eq3A_233 : f32 to vector<8x2048xf32>
    %eq3A_235 = arith.cmpf oeq, %add3A_228, %eq3A_234 : vector<8x2048xf32>
    %and3A_236 = arith.andi %lt3A_130, %eq3A_235 : vector<8x2048xi1>
    %convert_element_type3A_237 = arith.fptosi %broadcast_in_dim3A_141 : vector<8x1xf32> to vector<8x1xi32>
    %add3A_238 = arith.constant 255 : i32
    %add3A_239 = vector.broadcast %add3A_238 : i32 to vector<8x1xi32>
    %add3A_240 = arith.addi %convert_element_type3A_237, %add3A_239 : vector<8x1xi32>
    %jit3A_241 = arith.constant 256 : i32
    %div3A_242 = vector.broadcast %jit3A_241 : i32 to vector<8x1xi32>
    %div3A_243 = arith.divsi %add3A_240, %div3A_242 : vector<8x1xi32>
    %sign3A = arith.constant 0 : i32
    %sign3A_244 = vector.broadcast %sign3A : i32 to vector<8x1xi32>
    %sign3A_245 = arith.cmpi sgt, %add3A_240, %sign3A_244 : vector<8x1xi32>
    %sign3A_246 = arith.extui %sign3A_245 : vector<8x1xi1> to vector<8x1xi32>
    %sign3A_247 = arith.constant 0 : i32
    %sign3A_248 = vector.broadcast %sign3A_247 : i32 to vector<8x1xi32>
    %sign3A_249 = arith.cmpi slt, %add3A_240, %sign3A_248 : vector<8x1xi32>
    %sign3A_250 = arith.extui %sign3A_249 : vector<8x1xi1> to vector<8x1xi32>
    %sign3A_251 = arith.subi %sign3A_246, %sign3A_250 : vector<8x1xi32>
    %sign3A_252 = arith.constant 0 : i32
    %sign3A_253 = arith.cmpi sgt, %jit3A_241, %sign3A_252 : i32
    %sign3A_254 = arith.extui %sign3A_253 : i1 to i32
    %sign3A_255 = arith.constant 0 : i32
    %sign3A_256 = arith.cmpi slt, %jit3A_241, %sign3A_255 : i32
    %sign3A_257 = arith.extui %sign3A_256 : i1 to i32
    %sign3A_258 = arith.subi %sign3A_254, %sign3A_257 : i32
    %ne3A = vector.broadcast %sign3A_258 : i32 to vector<8x1xi32>
    %ne3A_259 = arith.cmpi ne, %sign3A_251, %ne3A : vector<8x1xi32>
    %rem3A = vector.broadcast %jit3A_241 : i32 to vector<8x1xi32>
    %rem3A_260 = arith.remsi %add3A_240, %rem3A : vector<8x1xi32>
    %ne3A_261 = arith.constant 0 : i32
    %ne3A_262 = vector.broadcast %ne3A_261 : i32 to vector<8x1xi32>
    %ne3A_263 = arith.cmpi ne, %rem3A_260, %ne3A_262 : vector<8x1xi32>
    %and3A_264 = arith.andi %ne3A_259, %ne3A_263 : vector<8x1xi1>
    %sub3A_265 = arith.constant 1 : i32
    %sub3A_266 = vector.broadcast %sub3A_265 : i32 to vector<8x1xi32>
    %sub3A_267 = arith.subi %div3A_243, %sub3A_266 : vector<8x1xi32>
    %select_n3A_268 = arith.select %and3A_264, %sub3A_267, %div3A_243 : vector<8x1xi1>, vector<8x1xi32>
    %mul3A_269 = arith.constant 256 : i32
    %mul3A_270 = vector.broadcast %mul3A_269 : i32 to vector<8x1xi32>
    %mul3A_271 = arith.muli %select_n3A_268, %mul3A_270 : vector<8x1xi32>
    %convert_element_type3A_272 = arith.sitofp %mul3A_271 : vector<8x1xi32> to vector<8x1xf32>
    %broadcast_in_dim3A_273 = arith.constant 0.000000e+00 : f32
    %broadcast_in_dim3A_274 = vector.broadcast %broadcast_in_dim3A_273 : f32 to vector<1x1xf32>
    %slice3A_275 = vector.extract_strided_slice %convert_element_type3A_272 {offsets = [0, 0], sizes = [7, 1], strides = [1, 1]} : vector<8x1xf32> to vector<7x1xf32>
    %concatenate3A_276 = tpu.concatenate %broadcast_in_dim3A_274, %slice3A_275 in 0 : vector<1x1xf32>, vector<7x1xf32> -> vector<8x1xf32>
    %add3A_277 = arith.addf %convert_element_type3A_272, %concatenate3A_276 : vector<8x1xf32>
    %broadcast_in_dim3A_278 = arith.constant 0.000000e+00 : f32
    %broadcast_in_dim3A_279 = vector.broadcast %broadcast_in_dim3A_278 : f32 to vector<2x1xf32>
    %slice3A_280 = vector.extract_strided_slice %add3A_277 {offsets = [0, 0], sizes = [6, 1], strides = [1, 1]} : vector<8x1xf32> to vector<6x1xf32>
    %concatenate3A_281 = tpu.concatenate %broadcast_in_dim3A_279, %slice3A_280 in 0 : vector<2x1xf32>, vector<6x1xf32> -> vector<8x1xf32>
    %add3A_282 = arith.addf %add3A_277, %concatenate3A_281 : vector<8x1xf32>
    %broadcast_in_dim3A_283 = arith.constant 0.000000e+00 : f32
    %broadcast_in_dim3A_284 = vector.broadcast %broadcast_in_dim3A_283 : f32 to vector<4x1xf32>
    %slice3A_285 = vector.extract_strided_slice %add3A_282 {offsets = [0, 0], sizes = [4, 1], strides = [1, 1]} : vector<8x1xf32> to vector<4x1xf32>
    %concatenate3A_286 = tpu.concatenate %broadcast_in_dim3A_284, %slice3A_285 in 0 : vector<4x1xf32>, vector<4x1xf32> -> vector<8x1xf32>
    %add3A_287 = arith.addf %add3A_282, %concatenate3A_286 : vector<8x1xf32>
    %sub3A_288 = arith.subf %add3A_287, %convert_element_type3A_272 : vector<8x1xf32>
    %add3A_289 = vector.broadcast %sub3A_288 : vector<8x1xf32> to vector<8x2048xf32>
    %add3A_290 = arith.addf %add3A_289, %sub3A_213 : vector<8x2048xf32>
    %jit3A_291 = arith.constant 0.000000e+00 : f32
    %broadcast_in_dim3A_292 = vector.broadcast %jit3A_291 : f32 to vector<8x2048xf32>
    %select_n3A_293 = arith.select %and3A_232, %div3A_138, %broadcast_in_dim3A_292 : vector<8x2048xi1>, vector<8x2048xf32>
    %reduce_sum3A_294 = arith.constant dense<0.000000e+00> : vector<2048xf32>
    %reduce_sum3A_295 = vector.multi_reduction <add>, %select_n3A_293, %reduce_sum3A_294 [0] : vector<8x2048xf32> to vector<2048xf32>
    %broadcast_in_dim3A_296 = vector.shape_cast %reduce_sum3A_295 : vector<2048xf32> to vector<1x2048xf32>
    %swap3A_297 = arith.constant 0 : index
    %swap3A_298 = arith.constant 0 : index
    %swap3A_299 = vector.load %arg2[%swap3A_297, %swap3A_298] : memref<1x2048xf32, #tpu.memory_space<vmem>>, vector<1x2048xf32>
    tpu.vector_store %arg2[%swap3A_297, %swap3A_298], %broadcast_in_dim3A_296 {strides = array<i32>} : memref<1x2048xf32, #tpu.memory_space<vmem>>, vector<1x2048xf32>,
    %jit3A_300 = arith.constant 0.000000e+00 : f32
    %broadcast_in_dim3A_301 = vector.broadcast %jit3A_300 : f32 to vector<8x2048xf32>
    %select_n3A_302 = arith.select %and3A_236, %div3A_138, %broadcast_in_dim3A_301 : vector<8x2048xi1>, vector<8x2048xf32>
    %reduce_sum3A_303 = arith.constant dense<0.000000e+00> : vector<2048xf32>
    %reduce_sum3A_304 = vector.multi_reduction <add>, %select_n3A_302, %reduce_sum3A_303 [0] : vector<8x2048xf32> to vector<2048xf32>
    %broadcast_in_dim3A_305 = vector.shape_cast %reduce_sum3A_304 : vector<2048xf32> to vector<1x2048xf32>
    %swap3A_306 = arith.constant 0 : index
    %swap3A_307 = arith.constant 0 : index
    %swap3A_308 = vector.load %arg3[%swap3A_306, %swap3A_307] : memref<1x2048xf32, #tpu.memory_space<vmem>>, vector<1x2048xf32>
    tpu.vector_store %arg3[%swap3A_306, %swap3A_307], %broadcast_in_dim3A_305 {strides = array<i32>} : memref<1x2048xf32, #tpu.memory_space<vmem>>, vector<1x2048xf32>,
    %jit3A_309 = arith.constant 0.000000e+00 : f32
    %broadcast_in_dim3A_310 = vector.broadcast %jit3A_309 : f32 to vector<8x2048xf32>
    %select_n3A_311 = arith.select %and3A_232, %add3A_290, %broadcast_in_dim3A_310 : vector<8x2048xi1>, vector<8x2048xf32>
    %reduce_sum3A_312 = arith.constant dense<0.000000e+00> : vector<2048xf32>
    %reduce_sum3A_313 = vector.multi_reduction <add>, %select_n3A_311, %reduce_sum3A_312 [0] : vector<8x2048xf32> to vector<2048xf32>
    %broadcast_in_dim3A_314 = vector.shape_cast %reduce_sum3A_313 : vector<2048xf32> to vector<1x2048xf32>
    %convert_element_type3A_315 = arith.fptosi %broadcast_in_dim3A_314 : vector<1x2048xf32> to vector<1x2048xi32>
    %swap3A_316 = arith.constant 0 : index
    %swap3A_317 = arith.constant 0 : index
    %swap3A_318 = vector.load %arg4[%swap3A_316, %swap3A_317] : memref<1x2048xi32, #tpu.memory_space<vmem>>, vector<1x2048xi32>
    tpu.vector_store %arg4[%swap3A_316, %swap3A_317], %convert_element_type3A_315 {strides = array<i32>} : memref<1x2048xi32, #tpu.memory_space<vmem>>, vector<1x2048xi32>,
    %jit3A_319 = arith.constant 0.000000e+00 : f32
    %broadcast_in_dim3A_320 = vector.broadcast %jit3A_319 : f32 to vector<8x2048xf32>
    %select_n3A_321 = arith.select %and3A_236, %add3A_290, %broadcast_in_dim3A_320 : vector<8x2048xi1>, vector<8x2048xf32>
    %reduce_sum3A_322 = arith.constant dense<0.000000e+00> : vector<2048xf32>
    %reduce_sum3A_323 = vector.multi_reduction <add>, %select_n3A_321, %reduce_sum3A_322 [0] : vector<8x2048xf32> to vector<2048xf32>
    %broadcast_in_dim3A_324 = vector.shape_cast %reduce_sum3A_323 : vector<2048xf32> to vector<1x2048xf32>
    %convert_element_type3A_325 = arith.fptosi %broadcast_in_dim3A_324 : vector<1x2048xf32> to vector<1x2048xi32>
    %swap3A_326 = arith.constant 0 : index
    %swap3A_327 = arith.constant 0 : index
    %swap3A_328 = vector.load %arg5[%swap3A_326, %swap3A_327] : memref<1x2048xi32, #tpu.memory_space<vmem>>, vector<1x2048xi32>
    tpu.vector_store %arg5[%swap3A_326, %swap3A_327], %convert_element_type3A_325 {strides = array<i32>} : memref<1x2048xi32, #tpu.memory_space<vmem>>, vector<1x2048xi32>,
    %reduce_sum3A_329 = vector.shape_cast %mul3A_271 : vector<8x1xi32> to vector<1x8x1xi32>
    %reduce_sum3A_330 = arith.constant dense<0> : vector<1xi32>
    %reduce_sum3A_331 = vector.multi_reduction <add>, %reduce_sum3A_329, %reduce_sum3A_330 [1, 2] : vector<1x8x1xi32> to vector<1xi32>
    %reduce_sum3A_332 = vector.shape_cast %reduce_sum3A_331 : vector<1xi32> to vector<1x1x1xi32>
    %reduce_sum3A_333 = vector.extract %reduce_sum3A_332[0, 0, 0] : i32 from vector<1x1x1xi32>
    %iota3A_334 = tpu.iota {dimensions = array<i32: 1>} : vector<1x24xi32>
    %mul3A_335 = arith.constant 256 : i32
    %mul3A_336 = vector.broadcast %mul3A_335 : i32 to vector<1x24xi32>
    %mul3A_337 = arith.muli %iota3A_334, %mul3A_336 : vector<1x24xi32>
    %convert_element_type3A_338 = arith.fptosi %sub3A_288 : vector<8x1xf32> to vector<8x1xi32>
    %ge3A = vector.broadcast %mul3A_337 : vector<1x24xi32> to vector<8x24xi32>
    %ge3A_339 = vector.broadcast %convert_element_type3A_338 : vector<8x1xi32> to vector<8x24xi32>
    %ge3A_340 = arith.cmpi sge, %ge3A, %ge3A_339 : vector<8x24xi32>
    %convert_element_type3A_341 = arith.extui %ge3A_340 : vector<8x24xi1> to vector<8x24xi32>
    %reduce_sum3A_342 = arith.constant dense<0> : vector<24xi32>
    %reduce_sum3A_343 = vector.multi_reduction <add>, %convert_element_type3A_341, %reduce_sum3A_342 [0] : vector<8x24xi32> to vector<24xi32>
    %broadcast_in_dim3A_344 = vector.shape_cast %reduce_sum3A_343 : vector<24xi32> to vector<1x24xi32>
    %sub3A_345 = arith.constant 1 : i32
    %sub3A_346 = vector.broadcast %sub3A_345 : i32 to vector<1x24xi32>
    %sub3A_347 = arith.subi %broadcast_in_dim3A_344, %sub3A_346 : vector<1x24xi32>
    %max3A = arith.constant 0 : i32
    %max3A_348 = vector.broadcast %max3A : i32 to vector<1x24xi32>
    %max3A_349 = arith.maxsi %sub3A_347, %max3A_348 : vector<1x24xi32>
    %swap3A_350 = arith.constant 0 : index
    %swap3A_351 = arith.constant 0 : index
    %swap3A_352 = vector.load %arg6[%swap3A_350, %swap3A_351] : memref<1x24xi32, #tpu.memory_space<vmem>>, vector<1x24xi32>
    tpu.vector_store %arg6[%swap3A_350, %swap3A_351], %max3A_349 {strides = array<i32>} : memref<1x24xi32, #tpu.memory_space<vmem>>, vector<1x24xi32>,
    %lt3A_353 = vector.broadcast %reduce_sum3A_333 : i32 to vector<1x24xi32>
    %lt3A_354 = arith.cmpi slt, %mul3A_337, %lt3A_353 : vector<1x24xi32>
    %convert_element_type3A_355 = arith.extui %lt3A_354 : vector<1x24xi1> to vector<1x24xi32>
    %swap3A_356 = arith.constant 0 : index
    %swap3A_357 = arith.constant 0 : index
    %swap3A_358 = vector.load %arg7[%swap3A_356, %swap3A_357] : memref<1x24xi32, #tpu.memory_space<vmem>>, vector<1x24xi32>
    tpu.vector_store %arg7[%swap3A_356, %swap3A_357], %convert_element_type3A_355 {strides = array<i32>} : memref<1x24xi32, #tpu.memory_space<vmem>>, vector<1x24xi32>,
    %jit3A_359 = arith.constant 256 : i32
    %div3A_360 = vector.broadcast %jit3A_359 : i32 to vector<1x24xi32>
    %div3A_361 = arith.divsi %mul3A_337, %div3A_360 : vector<1x24xi32>
    %sign3A_362 = arith.constant 0 : i32
    %sign3A_363 = vector.broadcast %sign3A_362 : i32 to vector<1x24xi32>
    %sign3A_364 = arith.cmpi sgt, %mul3A_337, %sign3A_363 : vector<1x24xi32>
    %sign3A_365 = arith.extui %sign3A_364 : vector<1x24xi1> to vector<1x24xi32>
    %sign3A_366 = arith.constant 0 : i32
    %sign3A_367 = vector.broadcast %sign3A_366 : i32 to vector<1x24xi32>
    %sign3A_368 = arith.cmpi slt, %mul3A_337, %sign3A_367 : vector<1x24xi32>
    %sign3A_369 = arith.extui %sign3A_368 : vector<1x24xi1> to vector<1x24xi32>
    %sign3A_370 = arith.subi %sign3A_365, %sign3A_369 : vector<1x24xi32>
    %sign3A_371 = arith.constant 0 : i32
    %sign3A_372 = arith.cmpi sgt, %jit3A_359, %sign3A_371 : i32
    %sign3A_373 = arith.extui %sign3A_372 : i1 to i32
    %sign3A_374 = arith.constant 0 : i32
    %sign3A_375 = arith.cmpi slt, %jit3A_359, %sign3A_374 : i32
    %sign3A_376 = arith.extui %sign3A_375 : i1 to i32
    %sign3A_377 = arith.subi %sign3A_373, %sign3A_376 : i32
    %ne3A_378 = vector.broadcast %sign3A_377 : i32 to vector<1x24xi32>
    %ne3A_379 = arith.cmpi ne, %sign3A_370, %ne3A_378 : vector<1x24xi32>
    %rem3A_380 = vector.broadcast %jit3A_359 : i32 to vector<1x24xi32>
    %rem3A_381 = arith.remsi %mul3A_337, %rem3A_380 : vector<1x24xi32>
    %ne3A_382 = arith.constant 0 : i32
    %ne3A_383 = vector.broadcast %ne3A_382 : i32 to vector<1x24xi32>
    %ne3A_384 = arith.cmpi ne, %rem3A_381, %ne3A_383 : vector<1x24xi32>
    %and3A_385 = arith.andi %ne3A_379, %ne3A_384 : vector<1x24xi1>
    %sub3A_386 = arith.constant 1 : i32
    %sub3A_387 = vector.broadcast %sub3A_386 : i32 to vector<1x24xi32>
    %sub3A_388 = arith.subi %div3A_361, %sub3A_387 : vector<1x24xi32>
    %select_n3A_389 = arith.select %and3A_385, %sub3A_388, %div3A_361 : vector<1x24xi1>, vector<1x24xi32>
    %jit3A_390 = arith.constant 256 : i32
    %div3A_391 = arith.divsi %reduce_sum3A_333, %jit3A_390 : i32
    %sign3A_392 = arith.constant 0 : i32
    %sign3A_393 = arith.cmpi sgt, %reduce_sum3A_333, %sign3A_392 : i32
    %sign3A_394 = arith.extui %sign3A_393 : i1 to i32
    %sign3A_395 = arith.constant 0 : i32
    %sign3A_396 = arith.cmpi slt, %reduce_sum3A_333, %sign3A_395 : i32
    %sign3A_397 = arith.extui %sign3A_396 : i1 to i32
    %sign3A_398 = arith.subi %sign3A_394, %sign3A_397 : i32
    %sign3A_399 = arith.constant 0 : i32
    %sign3A_400 = arith.cmpi sgt, %jit3A_390, %sign3A_399 : i32
    %sign3A_401 = arith.extui %sign3A_400 : i1 to i32
    %sign3A_402 = arith.constant 0 : i32
    %sign3A_403 = arith.cmpi slt, %jit3A_390, %sign3A_402 : i32
    %sign3A_404 = arith.extui %sign3A_403 : i1 to i32
    %sign3A_405 = arith.subi %sign3A_401, %sign3A_404 : i32
    %ne3A_406 = arith.cmpi ne, %sign3A_398, %sign3A_405 : i32
    %rem3A_407 = arith.remsi %reduce_sum3A_333, %jit3A_390 : i32
    %ne3A_408 = arith.constant 0 : i32
    %ne3A_409 = arith.cmpi ne, %rem3A_407, %ne3A_408 : i32
    %and3A_410 = arith.andi %ne3A_406, %ne3A_409 : i1
    %sub3A_411 = arith.constant 1 : i32
    %sub3A_412 = arith.subi %div3A_391, %sub3A_411 : i32
    %select_n3A_413 = arith.select %and3A_410, %sub3A_412, %div3A_391 : i32
    %sub3A_414 = arith.constant 1 : i32
    %sub3A_415 = arith.subi %select_n3A_413, %sub3A_414 : i32
    %min3A = vector.broadcast %sub3A_415 : i32 to vector<1x24xi32>
    %min3A_416 = arith.minsi %select_n3A_389, %min3A : vector<1x24xi32>
    %swap3A_417 = arith.constant 0 : index
    %swap3A_418 = arith.constant 0 : index
    %swap3A_419 = vector.load %arg8[%swap3A_417, %swap3A_418] : memref<1x24xi32, #tpu.memory_space<vmem>>, vector<1x24xi32>
    tpu.vector_store %arg8[%swap3A_417, %swap3A_418], %min3A_416 {strides = array<i32>} : memref<1x24xi32, #tpu.memory_space<vmem>>, vector<1x24xi32>,
    return
  }
}

module attributes {stable_mosaic.version = 14 : i64} {
  func.func @_shared_body(%arg0: i32, %arg1: memref<1x256x1024xf32, #tpu.memory_space<vmem>>, %arg2: memref<1x1024x1024xf32, #tpu.memory_space<vmem>>, %arg3: memref<1x1024x1024xf32, #tpu.memory_space<vmem>>, %arg4: memref<1x1024x1024xf32, #tpu.memory_space<vmem>>, %arg5: memref<256x1024xf32, #tpu.memory_space<vmem>>) attributes {dimension_semantics = [#tpu.dimension_semantics<arbitrary>], iteration_bounds = array<i64: 8>, scalar_prefetch = 0 : i64, scratch_operands = 0 : i64, tpu.core_type = #tpu.core_type<tc>, window_params = [{transform_indices = @transform_0, window_bounds = array<i64: 1, 256, 1024>}, {pipeline_mode = #tpu.pipeline_mode<synchronous>, transform_indices = @transform_1, window_bounds = array<i64: 1, 1024, 1024>}, {pipeline_mode = #tpu.pipeline_mode<synchronous>, transform_indices = @transform_2, window_bounds = array<i64: 1, 1024, 1024>}, {pipeline_mode = #tpu.pipeline_mode<synchronous>, transform_indices = @transform_3, window_bounds = array<i64: 1, 1024, 1024>}, {transform_indices = @transform_4, window_bounds = array<i64: 256, 1024>}]} {
    %get3A = arith.constant 0 : index
    %get3A_0 = arith.constant 0 : index
    %get3A_1 = arith.constant 0 : index
    %get3A_2 = vector.load %arg1[%get3A, %get3A_0, %get3A_1] : memref<1x256x1024xf32, #tpu.memory_space<vmem>>, vector<1x256x1024xf32>
    %get3A_3 = vector.shape_cast %get3A_2 : vector<1x256x1024xf32> to vector<256x1024xf32>
    %get3A_4 = arith.constant 0 : index
    %get3A_5 = arith.constant 0 : index
    %get3A_6 = arith.constant 0 : index
    %get3A_7 = vector.load %arg2[%get3A_4, %get3A_5, %get3A_6] : memref<1x1024x1024xf32, #tpu.memory_space<vmem>>, vector<1x1024x1024xf32>
    %get3A_8 = vector.shape_cast %get3A_7 : vector<1x1024x1024xf32> to vector<1024x1024xf32>
    %dot_general3A = arith.constant dense<0.000000e+00> : vector<256x1024xf32>
    %dot_general3A_9 = tpu.matmul %get3A_3, %get3A_8, %dot_general3A {dimension_numbers = #tpu.dot_dimension_numbers<[1], [0], [0], [1], [0, 0, 1, 1], [], []>, transpose_lhs_hint = false} : vector<256x1024xf32>, vector<1024x1024xf32>, vector<256x1024xf32> -> vector<256x1024xf32>
    %get3A_10 = arith.constant 0 : index
    %get3A_11 = arith.constant 0 : index
    %get3A_12 = arith.constant 0 : index
    %get3A_13 = vector.load %arg3[%get3A_10, %get3A_11, %get3A_12] : memref<1x1024x1024xf32, #tpu.memory_space<vmem>>, vector<1x1024x1024xf32>
    %get3A_14 = vector.shape_cast %get3A_13 : vector<1x1024x1024xf32> to vector<1024x1024xf32>
    %dot_general3A_15 = arith.constant dense<0.000000e+00> : vector<256x1024xf32>
    %dot_general3A_16 = tpu.matmul %get3A_3, %get3A_14, %dot_general3A_15 {dimension_numbers = #tpu.dot_dimension_numbers<[1], [0], [0], [1], [0, 0, 1, 1], [], []>, transpose_lhs_hint = false} : vector<256x1024xf32>, vector<1024x1024xf32>, vector<256x1024xf32> -> vector<256x1024xf32>
    %logistic3A = arith.negf %dot_general3A_9 : vector<256x1024xf32>
    %logistic3A_17 = math.exp %logistic3A : vector<256x1024xf32>
    %logistic3A_18 = arith.constant 1.000000e+00 : f32
    %logistic3A_19 = vector.broadcast %logistic3A_18 : f32 to vector<256x1024xf32>
    %logistic3A_20 = arith.addf %logistic3A_19, %logistic3A_17 : vector<256x1024xf32>
    %logistic3A_21 = arith.divf %logistic3A_19, %logistic3A_20 : vector<256x1024xf32>
    %mul3A = arith.mulf %dot_general3A_9, %logistic3A_21 : vector<256x1024xf32>
    %mul3A_22 = arith.mulf %mul3A, %dot_general3A_16 : vector<256x1024xf32>
    %get3A_23 = arith.constant 0 : index
    %get3A_24 = arith.constant 0 : index
    %get3A_25 = arith.constant 0 : index
    %get3A_26 = vector.load %arg4[%get3A_23, %get3A_24, %get3A_25] : memref<1x1024x1024xf32, #tpu.memory_space<vmem>>, vector<1x1024x1024xf32>
    %get3A_27 = vector.shape_cast %get3A_26 : vector<1x1024x1024xf32> to vector<1024x1024xf32>
    %dot_general3A_28 = arith.constant dense<0.000000e+00> : vector<256x1024xf32>
    %dot_general3A_29 = tpu.matmul %mul3A_22, %get3A_27, %dot_general3A_28 {dimension_numbers = #tpu.dot_dimension_numbers<[1], [0], [0], [1], [0, 0, 1, 1], [], []>, transpose_lhs_hint = false} : vector<256x1024xf32>, vector<1024x1024xf32>, vector<256x1024xf32> -> vector<256x1024xf32>
    %mul3A_30 = arith.constant 1.000000e+00 : f32
    %mul3A_31 = vector.broadcast %mul3A_30 : f32 to vector<256x1024xf32>
    %mul3A_32 = arith.mulf %dot_general3A_29, %mul3A_31 : vector<256x1024xf32>
    %swap3A = arith.constant 0 : index
    %swap3A_33 = arith.constant 0 : index
    %swap3A_34 = vector.load %arg5[%swap3A, %swap3A_33] : memref<256x1024xf32, #tpu.memory_space<vmem>>, vector<256x1024xf32>
    tpu.vector_store %arg5[%swap3A, %swap3A_33], %mul3A_32 {strides = array<i32>} : memref<256x1024xf32, #tpu.memory_space<vmem>>, vector<256x1024xf32>,
    return
  }
  func.func @transform_0(%arg0: i32) -> (i32, i32, i32) {
    %c0_i32 = arith.constant 0 : i32
    %c0_i32_0 = arith.constant 0 : i32
    %c0_i32_1 = arith.constant 0 : i32
    return %c0_i32, %arg0, %c0_i32_0 : i32, i32, i32
  }
  func.func @transform_1(%arg0: i32) -> (i32, i32, i32) {
    %c0_i32 = arith.constant 0 : i32
    %c0_i32_0 = arith.constant 0 : i32
    %c0_i32_1 = arith.constant 0 : i32
    %c0_i32_2 = arith.constant 0 : i32
    return %c0_i32, %c0_i32_0, %c0_i32_1 : i32, i32, i32
  }
  func.func @transform_2(%arg0: i32) -> (i32, i32, i32) {
    %c0_i32 = arith.constant 0 : i32
    %c0_i32_0 = arith.constant 0 : i32
    %c0_i32_1 = arith.constant 0 : i32
    %c0_i32_2 = arith.constant 0 : i32
    return %c0_i32, %c0_i32_0, %c0_i32_1 : i32, i32, i32
  }
  func.func @transform_3(%arg0: i32) -> (i32, i32, i32) {
    %c0_i32 = arith.constant 0 : i32
    %c0_i32_0 = arith.constant 0 : i32
    %c0_i32_1 = arith.constant 0 : i32
    %c0_i32_2 = arith.constant 0 : i32
    return %c0_i32, %c0_i32_0, %c0_i32_1 : i32, i32, i32
  }
  func.func @transform_4(%arg0: i32) -> (i32, i32) {
    %c0_i32 = arith.constant 0 : i32
    %c0_i32_0 = arith.constant 0 : i32
    return %arg0, %c0_i32 : i32, i32
  }
}

module attributes {stable_mosaic.version = 14 : i64} {
  func.func @_final_body(%arg0: i32, %arg1: memref<512x1024xf32, #tpu.memory_space<vmem>>, %arg2: memref<512x1024xf32, #tpu.memory_space<vmem>>, %arg3: memref<512x1024xf32, #tpu.memory_space<vmem>>, %arg4: memref<512x1xf32, #tpu.memory_space<vmem>>, %arg5: memref<512x1xf32, #tpu.memory_space<vmem>>, %arg6: memref<512x1024xf32, #tpu.memory_space<vmem>>) attributes {dimension_semantics = [#tpu.dimension_semantics<arbitrary>], iteration_bounds = array<i64: 4>, scalar_prefetch = 0 : i64, scratch_operands = 0 : i64, tpu.core_type = #tpu.core_type<tc>, window_params = [{transform_indices = @transform_0, window_bounds = array<i64: 512, 1024>}, {transform_indices = @transform_1, window_bounds = array<i64: 512, 1024>}, {transform_indices = @transform_2, window_bounds = array<i64: 512, 1024>}, {transform_indices = @transform_3, window_bounds = array<i64: 512, 1>}, {transform_indices = @transform_4, window_bounds = array<i64: 512, 1>}, {transform_indices = @transform_5, window_bounds = array<i64: 512, 1024>}]} {
    %get3A = arith.constant 0 : index
    %get3A_0 = arith.constant 0 : index
    %get3A_1 = vector.load %arg1[%get3A, %get3A_0] : memref<512x1024xf32, #tpu.memory_space<vmem>>, vector<512x1024xf32>
    %get3A_2 = arith.constant 0 : index
    %get3A_3 = arith.constant 0 : index
    %get3A_4 = vector.load %arg4[%get3A_2, %get3A_3] : memref<512x1xf32, #tpu.memory_space<vmem>>, vector<512x1xf32>
    %get3A_5 = arith.constant 0 : index
    %get3A_6 = arith.constant 0 : index
    %get3A_7 = vector.load %arg2[%get3A_5, %get3A_6] : memref<512x1024xf32, #tpu.memory_space<vmem>>, vector<512x1024xf32>
    %mul3A = vector.broadcast %get3A_4 : vector<512x1xf32> to vector<512x1024xf32>
    %mul3A_8 = arith.mulf %mul3A, %get3A_7 : vector<512x1024xf32>
    %add3A = arith.addf %get3A_1, %mul3A_8 : vector<512x1024xf32>
    %get3A_9 = arith.constant 0 : index
    %get3A_10 = arith.constant 0 : index
    %get3A_11 = vector.load %arg5[%get3A_9, %get3A_10] : memref<512x1xf32, #tpu.memory_space<vmem>>, vector<512x1xf32>
    %get3A_12 = arith.constant 0 : index
    %get3A_13 = arith.constant 0 : index
    %get3A_14 = vector.load %arg3[%get3A_12, %get3A_13] : memref<512x1024xf32, #tpu.memory_space<vmem>>, vector<512x1024xf32>
    %mul3A_15 = vector.broadcast %get3A_11 : vector<512x1xf32> to vector<512x1024xf32>
    %mul3A_16 = arith.mulf %mul3A_15, %get3A_14 : vector<512x1024xf32>
    %add3A_17 = arith.addf %add3A, %mul3A_16 : vector<512x1024xf32>
    %swap3A = arith.constant 0 : index
    %swap3A_18 = arith.constant 0 : index
    %swap3A_19 = vector.load %arg6[%swap3A, %swap3A_18] : memref<512x1024xf32, #tpu.memory_space<vmem>>, vector<512x1024xf32>
    tpu.vector_store %arg6[%swap3A, %swap3A_18], %add3A_17 {strides = array<i32>} : memref<512x1024xf32, #tpu.memory_space<vmem>>, vector<512x1024xf32>,
    return
  }
  func.func @transform_0(%arg0: i32) -> (i32, i32) {
    %c0_i32 = arith.constant 0 : i32
    %c0_i32_0 = arith.constant 0 : i32
    return %arg0, %c0_i32 : i32, i32
  }
  func.func @transform_1(%arg0: i32) -> (i32, i32) {
    %c0_i32 = arith.constant 0 : i32
    %c0_i32_0 = arith.constant 0 : i32
    return %arg0, %c0_i32 : i32, i32
  }
  func.func @transform_2(%arg0: i32) -> (i32, i32) {
    %c0_i32 = arith.constant 0 : i32
    %c0_i32_0 = arith.constant 0 : i32
    return %arg0, %c0_i32 : i32, i32
  }
  func.func @transform_3(%arg0: i32) -> (i32, i32) {
    %c0_i32 = arith.constant 0 : i32
    %c0_i32_0 = arith.constant 0 : i32
    return %arg0, %c0_i32 : i32, i32
  }
  func.func @transform_4(%arg0: i32) -> (i32, i32) {
    %c0_i32 = arith.constant 0 : i32
    %c0_i32_0 = arith.constant 0 : i32
    return %arg0, %c0_i32 : i32, i32
  }
  func.func @transform_5(%arg0: i32) -> (i32, i32) {
    %c0_i32 = arith.constant 0 : i32
    %c0_i32_0 = arith.constant 0 : i32
    return %arg0, %c0_i32 : i32, i32
  }
}

</mosaic_0001>

<sc_bundles>
// kernel: kernel.11.cloned.1.call-start
scs
__scs_entry_jumppad:
0x0: {  	(pc) =	sbr.rel $0x88, $3  }
0x1: {  	(tag) =	ssettag $0x0;
	lr =	simm.s32 $0x1  }
0x2: {  	[smem:$0x3F99] =	sst lr;
	_ =	strace $0xD0000000  }
0x3: {  	_ = 	snop  }
0x4: {  	_ = 	snop  }
0x5: {  	_ = 	snop  }
0x6: {  	_ = 	snop  }
0x7: {  	_ = 	snop  }
__scs_overlays_trampoline_lowered:
0x8: {  	[smem:$0x3FA8] =	sst s0  }
0x9: {  	[smem:$0x3FA9] =	sst s1  }
0xa: {  	[smem:$0x3FAA] =	sst s2  }
0xb: {  	[smem:$0x3FAB] =	sst s3  }
0xc: {  	[smem:$0x3FAC] =	sst s4  }
0xd: {  	[smem:$0x3FAD] =	sst s5  }
0xe: {  	[smem:$0x3FAE] =	sst s6  }
0xf: {  	[smem:$0x3FAF] =	sst s7  }
0x10: {  	[smem:$0x3FB0] =	sst s8  }
0x11: {  	[smem:$0x3FB1] =	sst s9;
	s0 =	simm.s32 @!p0 $0x0  }
0x12: {  	s1 =	sld [smem:$0x3F97];
	s0 =	simm.s32 @p0 $0x1  }
0x13: {  	[smem:$0x3FB2] =	sst s0;
	s0 =	simm.s32 @!p1 $0x0  }
0x14: {  	s2 =	sld [smem:$0x3F96];
	s0 =	simm.s32 @p1 $0x1  }
0x15: {  	[smem:$0x3FB3] =	sst s0;
	s0 =	simm.s32 @!p2 $0x0  }
0x16: {  	s3 =	sld [smem:$0x3FDB];
	s0 =	simm.s32 @p2 $0x1  }
0x17: {  	s4 =	simm.s32 $0x1BF5;
	[smem:$0x3FB5] =	sst s0  }
0x18: {  	s0 =	sld [smem:$0x3F98];
	_ =	swait.ge [sflag:s4], $0x0  }
0x19: {  	s7 =	sld [smem:$0x3F99]  }
0x1a: {  	s8 =	sadd.s32 $0xFFFFE003, lr  }
0x1b: {  	s9 =	sadd.s32 $0xFFFFFEF7, lr;
	s5 =	simm.s32 $0xFFFFFFFF;
	p2 =	slt.u32 s8, $0xFFFFF086  }
0x1c: {  	p1 =	slt.u32 s9, $0xF7A;
	s5 =	simm.s32 @!p2 $0x0  }
0x1d: {  	s5 =	simm.s32 @p1 $0x1;
	p0 =	seq.s32 s7, s2  }
0x1e: {  	s7 =	smul.u32 @!p0 $0xF7A, s2;
	p2 =	seq.s32 @!p0 s5, $0x0  }
0x1f: {  	s9 =	smul.u32 $0xF7A, s1;
	s8 =	simm.s32 @!p0 $0x1BF5;
	p2 =	por !p2, p0  }
0x20: {  	[sflag:s8] =	ssyncset.s32 @!p0 $0xFFFFF086;
	s6 =	sadd.s32 @!p0 s3, s7;
	s7 =	simm.s32 @!p0 $0x108  }
0x21: {  	s3 =	sadd.s32 s3, s9;
	s6 =	sadd.s32 @!p0 $0x88, s6;
	s7 =	simm.s32 @p2 $0x1082  }
0x22: {  	[simem:s7], [sflag:s8] =	dma.local @!p0 [hbm:s6], $0xF7A  }
0x23: {  	s9 =	sor.u32 $0xD0000000, s2;
	s6 =	simm.s32 $0x108;
	_ =	swait.ge @!p0 [sflag:s8], $0x0  }
0x24: {  	s3 =	sadd.s32 $0x88, s3;
	s6 =	simm.s32 @!p1 $0x1082;
	[sflag:s4] =	ssyncset.s32 $0xFFFFF086  }
0x25: {  	[simem:s6], [sflag:s4] =	dma.local [hbm:s3], $0xF7A  }
0x26: {  	[smem:$0x3F99] =	sst s1;
	(tag) =	ssettag s2;
	_ =	strace s9  }
0x27: {  	s1 =	sld [smem:$0x3FA9]  }
0x28: {  	s2 =	sld [smem:$0x3FAA]  }
0x29: {  	s4 =	sld [smem:$0x3FAC]  }
0x2a: {  	p0 =	seq.s32 s5, $0x0;
	s5 =	sld [smem:$0x3FAD]  }
0x2b: {  	s6 =	sld [smem:$0x3FAE]  }
0x2c: {  	s7 =	sld [smem:$0x3FAF]  }
0x2d: {  	s3 =	simm.s32 $0x108;
	s8 =	sld [smem:$0x3FB0]  }
0x2e: {  	s3 =	simm.s32 @!p0 $0x1082;
	s9 =	sld [smem:$0x3FB1]  }
0x2f: {  	lr =	sadd.s32 s0, s3;
	s0 =	sld [smem:$0x3FA8]  }
0x30: {  	s3 =	sld [smem:$0x3FAB]  }
0x31: {  	[smem:$0x3FB4] =	sst s10  }
0x32: {  	s10 =	sld [smem:$0x3FB2];
	_ =	sdelay $0x3  }
0x33: {  	p0 =	seq.s32 s10, $0x1;
	s10 =	sld [smem:$0x3FB4];
	_ =	sdelay $0x3  }
0x34: {  	[smem:$0x3FB4] =	sst s10  }
0x35: {  	s10 =	sld [smem:$0x3FB3];
	_ =	sdelay $0x3  }
0x36: {  	p1 =	seq.s32 s10, $0x1;
	s10 =	sld [smem:$0x3FB4];
	_ =	sdelay $0x3  }
0x37: {  	[smem:$0x3FB4] =	sst s10  }
0x38: {  	s10 =	sld [smem:$0x3FB5]  }
0x39: {  	_ = 	snop;
	(pc) =	sbr.ind lr, $3  }
0x3a: {  	_ = 	snop  }
0x3b: {  	_ = 	snop  }
0x3c: {  	p2 =	seq.s32 s10, $0x1;
	s10 =	sld [smem:$0x3FB4]  }
0x3d: {  	_ =	shalt  }
0x3e: {  	_ =	shalt  }
0x3f: {  	_ =	shalt  }
0x40: {  	_ =	shalt  }
0x41: {  	_ =	shalt  }
0x42: {  	_ =	shalt  }
0x43: {  	_ =	shalt  }
0x44: {  	_ =	shalt  }
0x45: {  	_ =	shalt  }
0x46: {  	_ =	shalt  }
0x47: {  	_ =	shalt  }
0x48: {  	_ =	shalt  }
0x49: {  	_ =	shalt  }
0x4a: {  	_ =	shalt  }
0x4b: {  	_ =	shalt  }
0x4c: {  	_ =	shalt  }
0x4d: {  	_ =	shalt  }
0x4e: {  	_ =	shalt  }
0x4f: {  	_ =	shalt  }
0x50: {  	_ =	shalt  }
0x51: {  	_ =	shalt  }
0x52: {  	_ =	shalt  }
0x53: {  	_ =	shalt  }
0x54: {  	_ =	shalt  }
0x55: {  	_ =	shalt  }
0x56: {  	_ =	shalt  }
0x57: {  	_ =	shalt  }
0x58: {  	_ =	shalt  }
0x59: {  	_ =	shalt  }
0x5a: {  	_ =	shalt  }
0x5b: {  	_ =	shalt  }
0x5c: {  	_ =	shalt  }
0x5d: {  	_ =	shalt  }
0x5e: {  	_ =	shalt  }
0x5f: {  	_ =	shalt  }
0x60: {  	_ =	shalt  }
0x61: {  	_ =	shalt  }
0x62: {  	_ =	shalt  }
0x63: {  	_ =	shalt  }
0x64: {  	_ =	shalt  }
0x65: {  	_ =	shalt  }
0x66: {  	_ =	shalt  }
0x67: {  	_ =	shalt  }
0x68: {  	_ =	shalt  }
0x69: {  	_ =	shalt  }
0x6a: {  	_ =	shalt  }
0x6b: {  	_ =	shalt  }
0x6c: {  	_ =	shalt  }
0x6d: {  	_ =	shalt  }
0x6e: {  	_ =	shalt  }
0x6f: {  	_ =	shalt  }
0x70: {  	_ =	shalt  }
0x71: {  	_ =	shalt  }
0x72: {  	_ =	shalt  }
0x73: {  	_ =	shalt  }
0x74: {  	_ =	shalt  }
0x75: {  	_ =	shalt  }
0x76: {  	_ =	shalt  }
0x77: {  	_ =	shalt  }
0x78: {  	_ =	shalt  }
0x79: {  	_ =	shalt  }
0x7a: {  	_ =	shalt  }
0x7b: {  	_ =	shalt  }
0x7c: {  	_ =	shalt  }
0x7d: {  	_ =	shalt  }
0x7e: {  	_ =	shalt  }
0x7f: {  	_ =	shalt  }
0x80: {  	_ =	shalt  }
0x81: {  	_ =	shalt  }
0x82: {  	_ =	shalt  }
0x83: {  	_ =	shalt  }
0x84: {  	_ =	shalt  }
0x85: {  	_ =	shalt  }
0x86: {  	_ =	shalt  }
0x87: {  	_ =	shalt  }
.Lfunc_end0:
.L_simem_size_0:
called_computation.1_lowered:
.L_overlay_start_0:
0x88: {  	s2 =	sld [smem:$0x3FD9]  }
0x89: {  	s3 =	sld [smem:$0x3FFE];
	_ =	sdelay $0x1  }
0x8a: {  	s1 =	srdreg.scid  }
0x8b: {  	s0 =	sand.u32 $0x1, s1  }
0x8c: {  	s14 =	sshll.u32 s0, $0xA;
	s2 =	sadd.s32 s3, s2  }
0x8d: {  	s2 =	sadd.s32 s2, s14  }
0x8e: {  	[smem:$0x3FC0] =	sst s2  }
0x8f: {  	_ = 	snop  }
0x90: {  	s2 =	sld [smem:$0x3FD0];
	_ =	sdelay $0x2  }
0x91: {  	s15 =	simm.s32 $0xA;
	s4 =	simm.s32 $0x10  }
0x92: {  	[smem:s4], [sflag:s15] =	dma.local [hbm:s2], $0x1  }
0x93: {  	_ =	swait.eq [sflag:s15], $0x1  }
0x94: {  	[sflag:s15] =	ssyncset.done $0x0  }
0x95: {  	[sflag:s15] =	ssyncadd.s32 $0xFFFFFFFF  }
0x96: {  	s16 =	sld [smem:$0x10];
	(tm) =	ssettm $0x1  }
0x97: {  	s17 =	sld [smem:$0x3FFB];
	_ =	sdelay $0x3  }
0x98: {  	_ =	strace s17  }
0x99: {  	s3 =	sld [smem:$0x3FFC];
	_ =	sdelay $0x3  }
0x9a: {  	_ =	strace s3  }
0x9b: {  	s3 =	sld [smem:$0x3FFD];
	_ =	sdelay $0x3  }
0x9c: {  	_ =	strace s3  }
0x9d: {  	_ =	strace $0x8FFFFFFF  }
0x9e: {  	s18 =	sld [smem:$0x3FDB];
	_ =	sdelay $0x1  }
0x9f: {  	s19 =	simm.s32 $_scs_section_size  }
0xa0: {  	s5 =	simm.s32 $_size__tile_overlayer_lowered;
	s6 =	simm.s32 $_tile_overlayer_lowered  }
0xa1: {  	s22 =	simm.s32 $0x1BFF;
	s21 =	sshll.u32 s6, $0x1;
	s3 =	sadd.s32 s19, s18  }
0xa2: {  	s7 =	simm.s32 $0x0;
	s20 =	sshll.u32 s5, $0x1;
	s5 =	sadd.s32 s21, s3  }
0xa3: {  	[timem:s7], [sflag:s22] =	dma.local [hbm:s5], s20  }
0xa4: {  	_ =	swait.ge [sflag:s22], s20  }
0xa5: {  	s4 =	ssub.s32 $0x0, s20;
	[sflag:s22] =	ssyncset.done $0x0  }
0xa6: {  	[sflag:s22] =	ssyncadd.s32 s4;
	_ =	sdelay $0x1  }
0xa7: {  	s23 =	simm.s32 $0x1B8B  }
0xa8: {  	_ =	swait.ge [sflag:s23], $0x1  }
0xa9: {  	[sflag:s23] =	ssyncset.done $0x0  }
0xaa: {  	s25 =	simm.s32 $0x1B8E;
	s24 =	sld [smem:$0x3FFE];
	[sflag:s23] =	ssyncadd.s32 $0xFFFFFFFF  }
0xab: {  	s26 =	simm.s32 $execute0_lowered;
	[smem:$0x3FD2] =	sst s25  }
0xac: {  	s5 =	sshll.u32 s26, $0x1;
	_ =	strace $0x80000049;
	[dreg:$0x1] =	wrdreg $0xFFFFFFFF  }
0xad: {  	s28 =	simm.s32 $_size_execute0_lowered;
	s3 =	sadd.s32 s3, s5;
	[dreg:$0x0] =	wrdreg $0x0  }
0xae: {  	s5 =	sshll.u32 s28, $0x1;
	[dreg:$0x2] =	wrdreg s3  }
0xaf: {  	[dreg:$0x3] =	wrdreg s5  }
0xb0: {  	[dreg:$0x4] =	wrdreg $0xC0  }
0xb1: {  	_ =	task [dreg:s7], $0x5FFFF  }
0xb2: {  	[dreg:$0x1] =	wrdreg $0xFFFFFFFF  }
0xb3: {  	[dreg:$0x0] =	wrdreg $0x60  }
0xb4: {  	[dreg:$0x2] =	wrdreg s24  }
0xb5: {  	[dreg:$0x3] =	wrdreg s16  }
0xb6: {  	[dreg:$0x4] =	wrdreg $0x9  }
0xb7: {  	_ =	task.clear_ibuf [dreg:s7], $0x5FFFF;
	_ =	strace $0x90000049  }
0xb8: {  	s29 =	simm.s32 $0x9;
	_ =	strace $0x8000004B  }
0xb9: {  	_ =	swait.ge [sflag:s29], $0x1  }
0xba: {  	[sflag:s29] =	ssyncadd.s32 $0xFFFFFFFF  }
0xbb: {  	_ =	strace $0x9000004B  }
0xbc: {  	_ =	sfence  }
0xbd: {  	s30 =	sld [smem:$0x0];
	_ =	sdelay $0x2  }
0xbe: {  	s31 =	sshll.u32 s1, $0xD;
	s1 =	sshrl.u32 s1, $0x2  }
0xbf: {  	s3 =	sand.u32 $0x4000, s31;
	s1 =	sadd.s32 s1, s30  }
0xc0: {  	s0 =	sor.u32 s3, s0;
	s1 =	sshll.u32 s1, $0x11  }
0xc1: {  	s0 =	sor.u32 s1, s0  }
0xc2: {  	s0 =	sadd.s32 $0x8F2B, s0  }
0xc3: {  	[sflag:s0] =	ssyncadd.remote.s32 $0x1  }
0xc4: {  	_ =	sfence.sel $0xFFFF  }
0xc5: {  	[dreg:$0x0] =	wrdreg $0xFFFFFFFF;
	(pc) =	sbr.abs _section_cstart, $3  }
0xc6: {  	[dreg:$0x1] =	wrdreg $0xFFFFFFFF  }
0xc7: {  	_ =	task.clear_ibuf [dreg:s7], $0x2FFFF;
	_ =	strace $0x9FFFFFFF  }
0xc8: {  	(tm) =	ssettm $0x7FFFFFFF  }
0xc9: {  	_ =	shalt  }
tec
execute0_lowered:
.L_overlay_start_1:
0x0: {  	(tag) =	ssettag $0x1  }
0x1: {  	s0 =	rddreg [dreg:$0x0]  }
0x2: {  	s1 =	rddreg [dreg:$0x1];
	s3 =	srdreg.scid  }
0x3: {  	s2 =	simm.s32 $0x0;
	s5 =	stileid.u32;
	s18 =	simm.s32 $0x1  }
0x4: {  	s20 =	simm.s32 $0x880;
	s21 =	simm.s32 $0x1080;
	s28 =	simm.s32 $0x4080  }
0x5: {  	s29 =	simm.s32 $0x4880;
	s30 =	simm.s32 $0x5080;
	s31 =	simm.s32 $0x5880  }
0x6: {  	s10 =	simm.s32 $0x7080;
	s11 =	simm.s32 $0x7880;
	s12 =	simm.s32 $0x8080  }
0x7: {  	s13 =	simm.s32 $0x8880;
	s14 =	simm.s32 $0x9080;
	s15 =	simm.s32 $0x9880  }
0x8: {  	s16 =	simm.s32 $0xA080;
	s17 =	simm.s32 $0xA880;
	s9 =	simm.s32 $0xB080  }
0x9: {  	s4 =	sand.u32 $0x1, s3;
	[smem:$0x7FF] =	sst s2;
	s22 =	sshll.u32 s5, $0x7  }
0xa: {  	s3 =	sadd.s32 $0xC2000, s0;
	s23 =	sshll.u32 s4, $0x6;
	s4 =	ssub.s32 $0x2, s4  }
0xb: {  	_ =	strace $0x8000004A;
	s5 =	sor.u32 s23, s22;
	s7 =	sshrl.u32 s4, $0x1  }
0xc: {  	s22 =	simm.s32 $0x1880;
	s23 =	simm.s32 $0x2080;
	s6 =	sshrl.u32 s5, $0x3  }
0xd: {  	s5 =	sshll.u32 s5, $0x7;
	s7 =	ssub.s32 s4, s7;
	s4 =	sadd.s32 $0xC2100, s0  }
0xe: {  	s6 =	sadd.s32 s6, s0;
	s8 =	sadd.s32 s5, s0;
	s1 =	sadd.s32 s1, s5  }
0xf: {  	s5 =	sadd.s32 $0xC2200, s0;
	s24 =	sadd.s32 $0x1C00, s6;
	[dreg:$0x4] =	wrdreg s1  }
0x10: {  	s7 =	smax.u32 s7, $0x1;
	s25 =	sadd.s32 $0x1E00, s6;
	[dreg:$0x3] =	wrdreg s24  }
0x11: {  	v2 =	vlaneseq.u32;
	s6 =	sadd.s32 $0xC2300, s0;
	s26 =	sadd.s32 $0x2000, s8;
	[dreg:$0x5] =	wrdreg s25  }
0x12: {  	vm0 =	vmmov $0xffff;
	v1 =	vshrl.u32 v2, $0x3;
	s8 =	simm.s32 $0x2;
	s0 =	simm.s32 $0x80;
	[dreg:$0x6] =	wrdreg s26  }
0x13: {  	v0 =	vand.u32 $0x7, v2;
	v2 =	vor.u32 $0x8, v2;
	v1 =	vmul.u32 $0x8, v1;
	s24 =	simm.s32 $0x2880;
	s25 =	simm.s32 $0x3080;
	s26 =	simm.s32 $0x3880  }
.LBB2_1:
0x14: {  	s19 =	rddreg [dreg:$0x3]  }
0x15: {  	[tilespmem:s2], [sflag:$0x2] =	stream.linear.gather [hbm4b:s19+s2], $0x40, $0x38;
	[tilespmem:$0x10080] =	vst v63  }
0x16: {  	_ =	swait.ge [sflag:s8], $0x40  }
0x17: {  	[sflag:s8] =	ssyncset.done $0x0  }
0x18: {  	[sflag:s8] =	ssyncadd.s32 $0xFFFFFFC0  }
0x19: {  	v3 =	vld [tilespmem:$0x0];
	_ =	sdelay $0x4  }
0x1a: {  	v4 =	vshll.u32 v3, $0x3  }
0x1b: {  	v3 =	vand.u32 $0x7, v3;
	v4 =	vand.u32 $0xFFFFFFC0, v4  }
0x1c: {  	v3 =	vor.u32 v3, v4  }
0x1d: {  	v4 =	vperm.xlane v3, v0;
	_ =	sdelay $0x1  }
0x1e: {  	v4 =	vadd.s32 v1, v4;
	_ =	sdelay $0x4  }
0x1f: {  	[tilespmem:s0], [sflag:$0x1] =	stream.indirect_vreg.gather [hbm4b:s3+s2], $0x80, v4, vm0, $0xb8;
	[tilespmem:$0x10080] =	vst v63  }
0x20: {  	v3 =	vperm.xlane v3, v2  }
0x21: {  	[tilespmem:s20], [sflag:$0x1] =	stream.indirect_vreg.gather [hbm4b:s4+s2], $0x80, v4, vm0, $0xb8;
	[tilespmem:$0x10080] =	vst v63  }
0x22: {  	v3 =	vadd.s32 v1, v3  }
0x23: {  	[tilespmem:s21], [sflag:$0x1] =	stream.indirect_vreg.gather [hbm4b:s5+s2], $0x80, v4, vm0, $0xb8;
	[tilespmem:$0x10080] =	vst v63  }
0x24: {  	_ = 	snop  }
0x25: {  	[tilespmem:s22], [sflag:$0x1] =	stream.indirect_vreg.gather [hbm4b:s6+s2], $0x80, v4, vm0, $0xb8;
	[tilespmem:$0x10080] =	vst v63  }
0x26: {  	_ = 	snop  }
0x27: {  	[tilespmem:s23], [sflag:$0x1] =	stream.indirect_vreg.gather [hbm4b:s3+s2], $0x80, v3, vm0, $0xb8;
	[tilespmem:$0x10080] =	vst v63  }
0x28: {  	_ = 	snop  }
0x29: {  	[tilespmem:s24], [sflag:$0x1] =	stream.indirect_vreg.gather [hbm4b:s4+s2], $0x80, v3, vm0, $0xb8;
	[tilespmem:$0x10080] =	vst v63  }
0x2a: {  	_ = 	snop  }
0x2b: {  	[tilespmem:s25], [sflag:$0x1] =	stream.indirect_vreg.gather [hbm4b:s5+s2], $0x80, v3, vm0, $0xb8;
	[tilespmem:$0x10080] =	vst v63  }
0x2c: {  	_ = 	snop  }
0x2d: {  	[tilespmem:s26], [sflag:$0x1] =	stream.indirect_vreg.gather [hbm4b:s6+s2], $0x80, v3, vm0, $0xb8;
	[tilespmem:$0x10080] =	vst v63  }
0x2e: {  	v3 =	vld [tilespmem:$0x10];
	_ =	sdelay $0x4  }
0x2f: {  	v57 =	vshll.u32 v3, $0x3  }
0x30: {  	v3 =	vand.u32 $0x7, v3;
	v4 =	vand.u32 $0xFFFFFFC0, v57  }
0x31: {  	v3 =	vor.u32 v3, v4  }
0x32: {  	v4 =	vperm.xlane v3, v0;
	_ =	sdelay $0x1  }
0x33: {  	v4 =	vadd.s32 v1, v4;
	_ =	sdelay $0x4  }
0x34: {  	[tilespmem:s28], [sflag:$0x1] =	stream.indirect_vreg.gather [hbm4b:s3+s2], $0x80, v4, vm0, $0xb8;
	[tilespmem:$0x10080] =	vst v63  }
0x35: {  	v3 =	vperm.xlane v3, v2  }
0x36: {  	[tilespmem:s29], [sflag:$0x1] =	stream.indirect_vreg.gather [hbm4b:s4+s2], $0x80, v4, vm0, $0xb8;
	[tilespmem:$0x10080] =	vst v63  }
0x37: {  	v3 =	vadd.s32 v1, v3  }
0x38: {  	[tilespmem:s30], [sflag:$0x1] =	stream.indirect_vreg.gather [hbm4b:s5+s2], $0x80, v4, vm0, $0xb8;
	[tilespmem:$0x10080] =	vst v63  }
0x39: {  	_ = 	snop  }
0x3a: {  	[tilespmem:s31], [sflag:$0x1] =	stream.indirect_vreg.gather [hbm4b:s6+s2], $0x80, v4, vm0, $0xb8;
	[tilespmem:$0x10080] =	vst v63  }
0x3b: {  	s1 =	simm.s32 $0x6080  }
0x3c: {  	[tilespmem:s1], [sflag:$0x1] =	stream.indirect_vreg.gather [hbm4b:s3+s2], $0x80, v3, vm0, $0xb8;
	[tilespmem:$0x10080] =	vst v63  }
0x3d: {  	s1 =	simm.s32 $0x6880  }
0x3e: {  	[tilespmem:s1], [sflag:$0x1] =	stream.indirect_vreg.gather [hbm4b:s4+s2], $0x80, v3, vm0, $0xb8;
	[tilespmem:$0x10080] =	vst v63  }
0x3f: {  	_ = 	snop  }
0x40: {  	[tilespmem:s10], [sflag:$0x1] =	stream.indirect_vreg.gather [hbm4b:s5+s2], $0x80, v3, vm0, $0xb8;
	[tilespmem:$0x10080] =	vst v63  }
0x41: {  	_ = 	snop  }
0x42: {  	[tilespmem:s11], [sflag:$0x1] =	stream.indirect_vreg.gather [hbm4b:s6+s2], $0x80, v3, vm0, $0xb8;
	[tilespmem:$0x10080] =	vst v63  }
0x43: {  	v3 =	vld [tilespmem:$0x20];
	_ =	sdelay $0x4  }
0x44: {  	v58 =	vshll.u32 v3, $0x3  }
0x45: {  	v3 =	vand.u32 $0x7, v3;
	v4 =	vand.u32 $0xFFFFFFC0, v58  }
0x46: {  	v3 =	vor.u32 v3, v4  }
0x47: {  	v4 =	vperm.xlane v3, v0;
	_ =	sdelay $0x1  }
0x48: {  	v4 =	vadd.s32 v1, v4;
	_ =	sdelay $0x4  }
0x49: {  	[tilespmem:s12], [sflag:$0x1] =	stream.indirect_vreg.gather [hbm4b:s3+s2], $0x80, v4, vm0, $0xb8;
	[tilespmem:$0x10080] =	vst v63  }
0x4a: {  	v3 =	vperm.xlane v3, v2  }
0x4b: {  	[tilespmem:s13], [sflag:$0x1] =	stream.indirect_vreg.gather [hbm4b:s4+s2], $0x80, v4, vm0, $0xb8;
	[tilespmem:$0x10080] =	vst v63  }
0x4c: {  	v3 =	vadd.s32 v1, v3  }
0x4d: {  	[tilespmem:s14], [sflag:$0x1] =	stream.indirect_vreg.gather [hbm4b:s5+s2], $0x80, v4, vm0, $0xb8;
	[tilespmem:$0x10080] =	vst v63  }
0x4e: {  	_ = 	snop  }
0x4f: {  	[tilespmem:s15], [sflag:$0x1] =	stream.indirect_vreg.gather [hbm4b:s6+s2], $0x80, v4, vm0, $0xb8;
	[tilespmem:$0x10080] =	vst v63  }
0x50: {  	_ = 	snop  }
0x51: {  	[tilespmem:s16], [sflag:$0x1] =	stream.indirect_vreg.gather [hbm4b:s3+s2], $0x80, v3, vm0, $0xb8;
	[tilespmem:$0x10080] =	vst v63  }
0x52: {  	_ = 	snop  }
0x53: {  	[tilespmem:s17], [sflag:$0x1] =	stream.indirect_vreg.gather [hbm4b:s4+s2], $0x80, v3, vm0, $0xb8;
	[tilespmem:$0x10080] =	vst v63  }
0x54: {  	_ = 	snop  }
0x55: {  	[tilespmem:s9], [sflag:$0x1] =	stream.indirect_vreg.gather [hbm4b:s5+s2], $0x80, v3, vm0, $0xb8;
	[tilespmem:$0x10080] =	vst v63  }
0x56: {  	s19 =	simm.s32 $0xB880  }
0x57: {  	[tilespmem:s19], [sflag:$0x1] =	stream.indirect_vreg.gather [hbm4b:s6+s2], $0x80, v3, vm0, $0xb8;
	[tilespmem:$0x10080] =	vst v63  }
0x58: {  	v3 =	vld [tilespmem:$0x30];
	_ =	sdelay $0x4  }
0x59: {  	v59 =	vshll.u32 v3, $0x3  }
0x5a: {  	v3 =	vand.u32 $0x7, v3;
	v4 =	vand.u32 $0xFFFFFFC0, v59  }
0x5b: {  	v3 =	vor.u32 v3, v4  }
0x5c: {  	v4 =	vperm.xlane v3, v0;
	_ =	sdelay $0x1  }
0x5d: {  	v4 =	vadd.s32 v1, v4;
	_ =	sdelay $0x3  }
0x5e: {  	s19 =	simm.s32 $0xC080  }
0x5f: {  	[tilespmem:s19], [sflag:$0x1] =	stream.indirect_vreg.gather [hbm4b:s3+s2], $0x80, v4, vm0, $0xb8;
	[tilespmem:$0x10080] =	vst v63  }
0x60: {  	v3 =	vperm.xlane v3, v2;
	s19 =	simm.s32 $0xC880  }
0x61: {  	[tilespmem:s19], [sflag:$0x1] =	stream.indirect_vreg.gather [hbm4b:s4+s2], $0x80, v4, vm0, $0xb8;
	[tilespmem:$0x10080] =	vst v63  }
0x62: {  	v3 =	vadd.s32 v1, v3;
	s19 =	simm.s32 $0xD080  }
0x63: {  	[tilespmem:s19], [sflag:$0x1] =	stream.indirect_vreg.gather [hbm4b:s5+s2], $0x80, v4, vm0, $0xb8;
	[tilespmem:$0x10080] =	vst v63  }
0x64: {  	s19 =	simm.s32 $0xD880  }
0x65: {  	[tilespmem:s19], [sflag:$0x1] =	stream.indirect_vreg.gather [hbm4b:s6+s2], $0x80, v4, vm0, $0xb8;
	[tilespmem:$0x10080] =	vst v63  }
0x66: {  	s19 =	simm.s32 $0xE080  }
0x67: {  	[tilespmem:s19], [sflag:$0x1] =	stream.indirect_vreg.gather [hbm4b:s3+s2], $0x80, v3, vm0, $0xb8;
	[tilespmem:$0x10080] =	vst v63  }
0x68: {  	s19 =	simm.s32 $0xE880  }
0x69: {  	[tilespmem:s19], [sflag:$0x1] =	stream.indirect_vreg.gather [hbm4b:s4+s2], $0x80, v3, vm0, $0xb8;
	[tilespmem:$0x10080] =	vst v63  }
0x6a: {  	s19 =	simm.s32 $0xF080  }
0x6b: {  	[tilespmem:s19], [sflag:$0x1] =	stream.indirect_vreg.gather [hbm4b:s5+s2], $0x80, v3, vm0, $0xb8;
	[tilespmem:$0x10080] =	vst v63  }
0x6c: {  	s19 =	simm.s32 $0xF880  }
0x6d: {  	[tilespmem:s19], [sflag:$0x1] =	stream.indirect_vreg.gather [hbm4b:s6+s2], $0x80, v3, vm0, $0xb8;
	[tilespmem:$0x10080] =	vst v63  }
0x6e: {  	_ =	swait.ge [sflag:s18], $0x10000  }
0x6f: {  	[sflag:s18] =	ssyncset.done $0x0  }
0x70: {  	s19 =	rddreg [dreg:$0x4];
	[sflag:s18] =	ssyncadd.s32 $0xFFFF0000  }
0x71: {  	[hbm4b:s19+s2] =	stream.linear.scatter [tilespmem:s0], [sflag:$0x2], $0x10000, $0x38;
	[tilespmem:$0x10080] =	vst v63  }
0x72: {  	_ =	swait.ge [sflag:s8], $0x10000  }
0x73: {  	[sflag:s8] =	ssyncset.done $0x0  }
0x74: {  	s19 =	rddreg [dreg:$0x5];
	[sflag:s8] =	ssyncadd.s32 $0xFFFF0000  }
0x75: {  	[tilespmem:s2], [sflag:$0x2] =	stream.linear.gather [hbm4b:s19+s2], $0x40, $0x38;
	[tilespmem:$0x10080] =	vst v63  }
0x76: {  	_ =	swait.ge [sflag:s8], $0x40  }
0x77: {  	[sflag:s8] =	ssyncset.done $0x0  }
0x78: {  	[sflag:s8] =	ssyncadd.s32 $0xFFFFFFC0  }
0x79: {  	v3 =	vld [tilespmem:$0x0];
	_ =	sdelay $0x4  }
0x7a: {  	v60 =	vshll.u32 v3, $0x3  }
0x7b: {  	v3 =	vand.u32 $0x7, v3;
	v4 =	vand.u32 $0xFFFFFFC0, v60  }
0x7c: {  	v3 =	vor.u32 v3, v4  }
0x7d: {  	v4 =	vperm.xlane v3, v0;
	_ =	sdelay $0x1  }
0x7e: {  	v4 =	vadd.s32 v1, v4;
	_ =	sdelay $0x4  }
0x7f: {  	[tilespmem:s0], [sflag:$0x1] =	stream.indirect_vreg.gather [hbm4b:s3+s2], $0x80, v4, vm0, $0xb8;
	[tilespmem:$0x10080] =	vst v63  }
0x80: {  	v3 =	vperm.xlane v3, v2  }
0x81: {  	[tilespmem:s20], [sflag:$0x1] =	stream.indirect_vreg.gather [hbm4b:s4+s2], $0x80, v4, vm0, $0xb8;
	[tilespmem:$0x10080] =	vst v63  }
0x82: {  	v3 =	vadd.s32 v1, v3  }
0x83: {  	[tilespmem:s21], [sflag:$0x1] =	stream.indirect_vreg.gather [hbm4b:s5+s2], $0x80, v4, vm0, $0xb8;
	[tilespmem:$0x10080] =	vst v63  }
0x84: {  	_ = 	snop  }
0x85: {  	[tilespmem:s22], [sflag:$0x1] =	stream.indirect_vreg.gather [hbm4b:s6+s2], $0x80, v4, vm0, $0xb8;
	[tilespmem:$0x10080] =	vst v63  }
0x86: {  	_ = 	snop  }
0x87: {  	[tilespmem:s23], [sflag:$0x1] =	stream.indirect_vreg.gather [hbm4b:s3+s2], $0x80, v3, vm0, $0xb8;
	[tilespmem:$0x10080] =	vst v63  }
0x88: {  	_ = 	snop  }
0x89: {  	[tilespmem:s24], [sflag:$0x1] =	stream.indirect_vreg.gather [hbm4b:s4+s2], $0x80, v3, vm0, $0xb8;
	[tilespmem:$0x10080] =	vst v63  }
0x8a: {  	_ = 	snop  }
0x8b: {  	[tilespmem:s25], [sflag:$0x1] =	stream.indirect_vreg.gather [hbm4b:s5+s2], $0x80, v3, vm0, $0xb8;
	[tilespmem:$0x10080] =	vst v63  }
0x8c: {  	_ = 	snop  }
0x8d: {  	[tilespmem:s26], [sflag:$0x1] =	stream.indirect_vreg.gather [hbm4b:s6+s2], $0x80, v3, vm0, $0xb8;
	[tilespmem:$0x10080] =	vst v63  }
0x8e: {  	v3 =	vld [tilespmem:$0x10];
	_ =	sdelay $0x4  }
0x8f: {  	v61 =	vshll.u32 v3, $0x3  }
0x90: {  	v3 =	vand.u32 $0x7, v3;
	v4 =	vand.u32 $0xFFFFFFC0, v61  }
0x91: {  	v3 =	vor.u32 v3, v4  }
0x92: {  	v4 =	vperm.xlane v3, v0;
	_ =	sdelay $0x1  }
0x93: {  	v4 =	vadd.s32 v1, v4;
	_ =	sdelay $0x4  }
0x94: {  	[tilespmem:s28], [sflag:$0x1] =	stream.indirect_vreg.gather [hbm4b:s3+s2], $0x80, v4, vm0, $0xb8;
	[tilespmem:$0x10080] =	vst v63  }
0x95: {  	v3 =	vperm.xlane v3, v2  }
0x96: {  	[tilespmem:s29], [sflag:$0x1] =	stream.indirect_vreg.gather [hbm4b:s4+s2], $0x80, v4, vm0, $0xb8;
	[tilespmem:$0x10080] =	vst v63  }
0x97: {  	v3 =	vadd.s32 v1, v3  }
0x98: {  	[tilespmem:s30], [sflag:$0x1] =	stream.indirect_vreg.gather [hbm4b:s5+s2], $0x80, v4, vm0, $0xb8;
	[tilespmem:$0x10080] =	vst v63  }
0x99: {  	_ = 	snop  }
0x9a: {  	[tilespmem:s31], [sflag:$0x1] =	stream.indirect_vreg.gather [hbm4b:s6+s2], $0x80, v4, vm0, $0xb8;
	[tilespmem:$0x10080] =	vst v63  }
0x9b: {  	s19 =	simm.s32 $0x6080  }
0x9c: {  	[tilespmem:s19], [sflag:$0x1] =	stream.indirect_vreg.gather [hbm4b:s3+s2], $0x80, v3, vm0, $0xb8;
	[tilespmem:$0x10080] =	vst v63  }
0x9d: {  	_ = 	snop  }
0x9e: {  	[tilespmem:s1], [sflag:$0x1] =	stream.indirect_vreg.gather [hbm4b:s4+s2], $0x80, v3, vm0, $0xb8;
	[tilespmem:$0x10080] =	vst v63  }
0x9f: {  	_ = 	snop  }
0xa0: {  	[tilespmem:s10], [sflag:$0x1] =	stream.indirect_vreg.gather [hbm4b:s5+s2], $0x80, v3, vm0, $0xb8;
	[tilespmem:$0x10080] =	vst v63  }
0xa1: {  	_ = 	snop  }
0xa2: {  	[tilespmem:s11], [sflag:$0x1] =	stream.indirect_vreg.gather [hbm4b:s6+s2], $0x80, v3, vm0, $0xb8;
	[tilespmem:$0x10080] =	vst v63  }
0xa3: {  	v3 =	vld [tilespmem:$0x20];
	_ =	sdelay $0x4  }
0xa4: {  	v62 =	vshll.u32 v3, $0x3  }
0xa5: {  	v3 =	vand.u32 $0x7, v3;
	v4 =	vand.u32 $0xFFFFFFC0, v62  }
0xa6: {  	v3 =	vor.u32 v3, v4  }
0xa7: {  	v4 =	vperm.xlane v3, v0;
	_ =	sdelay $0x1  }
0xa8: {  	v4 =	vadd.s32 v1, v4;
	_ =	sdelay $0x4  }
0xa9: {  	[tilespmem:s12], [sflag:$0x1] =	stream.indirect_vreg.gather [hbm4b:s3+s2], $0x80, v4, vm0, $0xb8;
	[tilespmem:$0x10080] =	vst v63  }
0xaa: {  	v3 =	vperm.xlane v3, v2  }
0xab: {  	[tilespmem:s13], [sflag:$0x1] =	stream.indirect_vreg.gather [hbm4b:s4+s2], $0x80, v4, vm0, $0xb8;
	[tilespmem:$0x10080] =	vst v63  }
0xac: {  	v3 =	vadd.s32 v1, v3  }
0xad: {  	[tilespmem:s14], [sflag:$0x1] =	stream.indirect_vreg.gather [hbm4b:s5+s2], $0x80, v4, vm0, $0xb8;
	[tilespmem:$0x10080] =	vst v63  }
0xae: {  	_ = 	snop  }
0xaf: {  	[tilespmem:s15], [sflag:$0x1] =	stream.indirect_vreg.gather [hbm4b:s6+s2], $0x80, v4, vm0, $0xb8;
	[tilespmem:$0x10080] =	vst v63  }
0xb0: {  	_ = 	snop  }
0xb1: {  	[tilespmem:s16], [sflag:$0x1] =	stream.indirect_vreg.gather [hbm4b:s3+s2], $0x80, v3, vm0, $0xb8;
	[tilespmem:$0x10080] =	vst v63  }
0xb2: {  	_ = 	snop  }
0xb3: {  	[tilespmem:s17], [sflag:$0x1] =	stream.indirect_vreg.gather [hbm4b:s4+s2], $0x80, v3, vm0, $0xb8;
	[tilespmem:$0x10080] =	vst v63  }
0xb4: {  	_ = 	snop  }
0xb5: {  	[tilespmem:s9], [sflag:$0x1] =	stream.indirect_vreg.gather [hbm4b:s5+s2], $0x80, v3, vm0, $0xb8;
	[tilespmem:$0x10080] =	vst v63  }
0xb6: {  	s19 =	simm.s32 $0xB880  }
0xb7: {  	[tilespmem:s19], [sflag:$0x1] =	stream.indirect_vreg.gather [hbm4b:s6+s2], $0x80, v3, vm0, $0xb8;
	[tilespmem:$0x10080] =	vst v63  }
0xb8: {  	v3 =	vld [tilespmem:$0x30];
	_ =	sdelay $0x4  }
0xb9: {  	v63 =	vshll.u32 v3, $0x3  }
0xba: {  	v3 =	vand.u32 $0x7, v3;
	v4 =	vand.u32 $0xFFFFFFC0, v63  }
0xbb: {  	v3 =	vor.u32 v3, v4  }
0xbc: {  	v4 =	vperm.xlane v3, v0;
	_ =	sdelay $0x1  }
0xbd: {  	v4 =	vadd.s32 v1, v4;
	_ =	sdelay $0x3  }
0xbe: {  	s19 =	simm.s32 $0xC080  }
0xbf: {  	[tilespmem:s19], [sflag:$0x1] =	stream.indirect_vreg.gather [hbm4b:s3+s2], $0x80, v4, vm0, $0xb8;
	[tilespmem:$0x10080] =	vst v63  }
0xc0: {  	v3 =	vperm.xlane v3, v2;
	s19 =	simm.s32 $0xC880  }
0xc1: {  	[tilespmem:s19], [sflag:$0x1] =	stream.indirect_vreg.gather [hbm4b:s4+s2], $0x80, v4, vm0, $0xb8;
	[tilespmem:$0x10080] =	vst v63  }
0xc2: {  	v3 =	vadd.s32 v1, v3;
	s19 =	simm.s32 $0xD080  }
0xc3: {  	[tilespmem:s19], [sflag:$0x1] =	stream.indirect_vreg.gather [hbm4b:s5+s2], $0x80, v4, vm0, $0xb8;
	[tilespmem:$0x10080] =	vst v63  }
0xc4: {  	s19 =	simm.s32 $0xD880  }
0xc5: {  	[tilespmem:s19], [sflag:$0x1] =	stream.indirect_vreg.gather [hbm4b:s6+s2], $0x80, v4, vm0, $0xb8;
	[tilespmem:$0x10080] =	vst v63  }
0xc6: {  	s19 =	simm.s32 $0xE080  }
0xc7: {  	[tilespmem:s19], [sflag:$0x1] =	stream.indirect_vreg.gather [hbm4b:s3+s2], $0x80, v3, vm0, $0xb8;
	[tilespmem:$0x10080] =	vst v63  }
0xc8: {  	s19 =	simm.s32 $0xE880  }
0xc9: {  	[tilespmem:s19], [sflag:$0x1] =	stream.indirect_vreg.gather [hbm4b:s4+s2], $0x80, v3, vm0, $0xb8;
	[tilespmem:$0x10080] =	vst v63  }
0xca: {  	s19 =	simm.s32 $0xF080  }
0xcb: {  	[tilespmem:s19], [sflag:$0x1] =	stream.indirect_vreg.gather [hbm4b:s5+s2], $0x80, v3, vm0, $0xb8;
	[tilespmem:$0x10080] =	vst v63  }
0xcc: {  	s19 =	simm.s32 $0xF880  }
0xcd: {  	[tilespmem:s19], [sflag:$0x1] =	stream.indirect_vreg.gather [hbm4b:s6+s2], $0x80, v3, vm0, $0xb8;
	[tilespmem:$0x10080] =	vst v63  }
0xce: {  	_ =	swait.ge [sflag:s18], $0x10000  }
0xcf: {  	p0 =	sne.s32 s7, $0x1;
	[sflag:s18] =	ssyncset.done $0x0  }
.Ltmp0:
0xd0: {  	s1 =	rddreg [dreg:$0x6];
	[sflag:s18] =	ssyncadd.s32 $0xFFFF0000;
	(pc) =	sbr.rel @p0 .LBB2_1-.Ltmp0, $4  }
0xd1: {  	[hbm4b:s1+s2] =	stream.linear.scatter [tilespmem:s0], [sflag:$0x2], $0x10000, $0x38;
	[tilespmem:$0x10080] =	vst v63  }
0xd2: {  	_ =	swait.ge [sflag:s8], $0x10000  }
0xd3: {  	[sflag:s8] =	ssyncset.done $0x0  }
0xd4: {  	s7 =	sadd.s32 $0xFFFFFFFF, s7;
	[sflag:s8] =	ssyncadd.s32 $0xFFFF0000  }
0xd5: {  	_ =	sfence.sel $0x180000  }
0xd6: {  	[bflag:$0x0] =	sbarrier.arrive $0xFFFF  }
0xd7: {  	_ =	strace $0x9000004A  }
0xd8: {  	s0 =	stileid.u32;
	[bflag:$0x2] =	sbarrier.arrive $0xFFFF  }
0xd9: {  	p0 =	sne.s32 s0, $0x0;
	s0 =	rddreg [dreg:$0x2]  }
0xda: {  	s0 =	sadd.s32 @!p0 $0x100000, s0  }
0xdb: {  	[sflag:s0] =	ssyncadd.tile.s32 @!p0 $0x1;
	_ =	shalt  }
.Lfunc_end2:
_tile_overlayer_lowered:
.L_overlay_start_2:
0xdc: {  	(tag) =	ssettag $0x2  }
0xdd: {  	s0 =	rddreg [dreg:$0x0];
	s2 =	stileid.u32  }
0xde: {  	s1 =	rddreg [dreg:$0x1];
	p0 =	sne.s32 s2, $0x0  }
0xdf: {  	s3 =	rddreg [dreg:$0x2];
	[bflag:$0x3] =	sbarrier.arrive $0xFFFF;
	s2 =	simm.s32 @!p0 $0x1C02  }
0xe0: {  	[timem:s3], [sflag:s2] =	dma.local @!p0 [hbm:s0], s1  }
0xe1: {  	s0 =	simm.s32 @!p0 $0x2  }
0xe2: {  	_ =	swait.ge @!p0 [sflag:s0], s1  }
0xe3: {  	s1 =	ssub.s32 @!p0 $0x0, s1;
	[sflag:s0] =	ssyncset.done @!p0 $0x0  }
0xe4: {  	[sflag:s0] =	ssyncadd.s32 @!p0 s1  }
0xe5: {  	[bflag:$0x3] =	sbarrier.arrive $0xFFFF  }
0xe6: {  	_ =	shalt  }

// kernel: kernel.8.cloned.1.call-start
scs
__scs_entry_jumppad:
0x0: {  	(pc) =	sbr.rel $0x88, $3  }
0x1: {  	(tag) =	ssettag $0x0;
	lr =	simm.s32 $0x1  }
0x2: {  	[smem:$0x3F99] =	sst lr;
	_ =	strace $0xD0000000  }
0x3: {  	_ = 	snop  }
0x4: {  	_ = 	snop  }
0x5: {  	_ = 	snop  }
0x6: {  	_ = 	snop  }
0x7: {  	_ = 	snop  }
__scs_overlays_trampoline_lowered:
0x8: {  	[smem:$0x3FA8] =	sst s0  }
0x9: {  	[smem:$0x3FA9] =	sst s1  }
0xa: {  	[smem:$0x3FAA] =	sst s2  }
0xb: {  	[smem:$0x3FAB] =	sst s3  }
0xc: {  	[smem:$0x3FAC] =	sst s4  }
0xd: {  	[smem:$0x3FAD] =	sst s5  }
0xe: {  	[smem:$0x3FAE] =	sst s6  }
0xf: {  	[smem:$0x3FAF] =	sst s7  }
0x10: {  	[smem:$0x3FB0] =	sst s8  }
0x11: {  	[smem:$0x3FB1] =	sst s9;
	s0 =	simm.s32 @!p0 $0x0  }
0x12: {  	s1 =	sld [smem:$0x3F97];
	s0 =	simm.s32 @p0 $0x1  }
0x13: {  	[smem:$0x3FB2] =	sst s0;
	s0 =	simm.s32 @!p1 $0x0  }
0x14: {  	s2 =	sld [smem:$0x3F96];
	s0 =	simm.s32 @p1 $0x1  }
0x15: {  	[smem:$0x3FB3] =	sst s0;
	s0 =	simm.s32 @!p2 $0x0  }
0x16: {  	s3 =	sld [smem:$0x3FDB];
	s0 =	simm.s32 @p2 $0x1  }
0x17: {  	s4 =	simm.s32 $0x1BF5;
	[smem:$0x3FB5] =	sst s0  }
0x18: {  	s0 =	sld [smem:$0x3F98];
	_ =	swait.ge [sflag:s4], $0x0  }
0x19: {  	s7 =	sld [smem:$0x3F99]  }
0x1a: {  	s8 =	sadd.s32 $0xFFFFE003, lr  }
0x1b: {  	s9 =	sadd.s32 $0xFFFFFEF7, lr;
	s5 =	simm.s32 $0xFFFFFFFF;
	p2 =	slt.u32 s8, $0xFFFFF086  }
0x1c: {  	p1 =	slt.u32 s9, $0xF7A;
	s5 =	simm.s32 @!p2 $0x0  }
0x1d: {  	s5 =	simm.s32 @p1 $0x1;
	p0 =	seq.s32 s7, s2  }
0x1e: {  	s7 =	smul.u32 @!p0 $0xF7A, s2;
	p2 =	seq.s32 @!p0 s5, $0x0  }
0x1f: {  	s9 =	smul.u32 $0xF7A, s1;
	s8 =	simm.s32 @!p0 $0x1BF5;
	p2 =	por !p2, p0  }
0x20: {  	[sflag:s8] =	ssyncset.s32 @!p0 $0xFFFFF086;
	s6 =	sadd.s32 @!p0 s3, s7;
	s7 =	simm.s32 @!p0 $0x108  }
0x21: {  	s3 =	sadd.s32 s3, s9;
	s6 =	sadd.s32 @!p0 $0x88, s6;
	s7 =	simm.s32 @p2 $0x1082  }
0x22: {  	[simem:s7], [sflag:s8] =	dma.local @!p0 [hbm:s6], $0xF7A  }
0x23: {  	s9 =	sor.u32 $0xD0000000, s2;
	s6 =	simm.s32 $0x108;
	_ =	swait.ge @!p0 [sflag:s8], $0x0  }
0x24: {  	s3 =	sadd.s32 $0x88, s3;
	s6 =	simm.s32 @!p1 $0x1082;
	[sflag:s4] =	ssyncset.s32 $0xFFFFF086  }
0x25: {  	[simem:s6], [sflag:s4] =	dma.local [hbm:s3], $0xF7A  }
0x26: {  	[smem:$0x3F99] =	sst s1;
	(tag) =	ssettag s2;
	_ =	strace s9  }
0x27: {  	s1 =	sld [smem:$0x3FA9]  }
0x28: {  	s2 =	sld [smem:$0x3FAA]  }
0x29: {  	s4 =	sld [smem:$0x3FAC]  }
0x2a: {  	p0 =	seq.s32 s5, $0x0;
	s5 =	sld [smem:$0x3FAD]  }
0x2b: {  	s6 =	sld [smem:$0x3FAE]  }
0x2c: {  	s7 =	sld [smem:$0x3FAF]  }
0x2d: {  	s3 =	simm.s32 $0x108;
	s8 =	sld [smem:$0x3FB0]  }
0x2e: {  	s3 =	simm.s32 @!p0 $0x1082;
	s9 =	sld [smem:$0x3FB1]  }
0x2f: {  	lr =	sadd.s32 s0, s3;
	s0 =	sld [smem:$0x3FA8]  }
0x30: {  	s3 =	sld [smem:$0x3FAB]  }
0x31: {  	[smem:$0x3FB4] =	sst s10  }
0x32: {  	s10 =	sld [smem:$0x3FB2];
	_ =	sdelay $0x3  }
0x33: {  	p0 =	seq.s32 s10, $0x1;
	s10 =	sld [smem:$0x3FB4];
	_ =	sdelay $0x3  }
0x34: {  	[smem:$0x3FB4] =	sst s10  }
0x35: {  	s10 =	sld [smem:$0x3FB3];
	_ =	sdelay $0x3  }
0x36: {  	p1 =	seq.s32 s10, $0x1;
	s10 =	sld [smem:$0x3FB4];
	_ =	sdelay $0x3  }
0x37: {  	[smem:$0x3FB4] =	sst s10  }
0x38: {  	s10 =	sld [smem:$0x3FB5]  }
0x39: {  	_ = 	snop;
	(pc) =	sbr.ind lr, $3  }
0x3a: {  	_ = 	snop  }
0x3b: {  	_ = 	snop  }
0x3c: {  	p2 =	seq.s32 s10, $0x1;
	s10 =	sld [smem:$0x3FB4]  }
0x3d: {  	_ =	shalt  }
0x3e: {  	_ =	shalt  }
0x3f: {  	_ =	shalt  }
0x40: {  	_ =	shalt  }
0x41: {  	_ =	shalt  }
0x42: {  	_ =	shalt  }
0x43: {  	_ =	shalt  }
0x44: {  	_ =	shalt  }
0x45: {  	_ =	shalt  }
0x46: {  	_ =	shalt  }
0x47: {  	_ =	shalt  }
0x48: {  	_ =	shalt  }
0x49: {  	_ =	shalt  }
0x4a: {  	_ =	shalt  }
0x4b: {  	_ =	shalt  }
0x4c: {  	_ =	shalt  }
0x4d: {  	_ =	shalt  }
0x4e: {  	_ =	shalt  }
0x4f: {  	_ =	shalt  }
0x50: {  	_ =	shalt  }
0x51: {  	_ =	shalt  }
0x52: {  	_ =	shalt  }
0x53: {  	_ =	shalt  }
0x54: {  	_ =	shalt  }
0x55: {  	_ =	shalt  }
0x56: {  	_ =	shalt  }
0x57: {  	_ =	shalt  }
0x58: {  	_ =	shalt  }
0x59: {  	_ =	shalt  }
0x5a: {  	_ =	shalt  }
0x5b: {  	_ =	shalt  }
0x5c: {  	_ =	shalt  }
0x5d: {  	_ =	shalt  }
0x5e: {  	_ =	shalt  }
0x5f: {  	_ =	shalt  }
0x60: {  	_ =	shalt  }
0x61: {  	_ =	shalt  }
0x62: {  	_ =	shalt  }
0x63: {  	_ =	shalt  }
0x64: {  	_ =	shalt  }
0x65: {  	_ =	shalt  }
0x66: {  	_ =	shalt  }
0x67: {  	_ =	shalt  }
0x68: {  	_ =	shalt  }
0x69: {  	_ =	shalt  }
0x6a: {  	_ =	shalt  }
0x6b: {  	_ =	shalt  }
0x6c: {  	_ =	shalt  }
0x6d: {  	_ =	shalt  }
0x6e: {  	_ =	shalt  }
0x6f: {  	_ =	shalt  }
0x70: {  	_ =	shalt  }
0x71: {  	_ =	shalt  }
0x72: {  	_ =	shalt  }
0x73: {  	_ =	shalt  }
0x74: {  	_ =	shalt  }
0x75: {  	_ =	shalt  }
0x76: {  	_ =	shalt  }
0x77: {  	_ =	shalt  }
0x78: {  	_ =	shalt  }
0x79: {  	_ =	shalt  }
0x7a: {  	_ =	shalt  }
0x7b: {  	_ =	shalt  }
0x7c: {  	_ =	shalt  }
0x7d: {  	_ =	shalt  }
0x7e: {  	_ =	shalt  }
0x7f: {  	_ =	shalt  }
0x80: {  	_ =	shalt  }
0x81: {  	_ =	shalt  }
0x82: {  	_ =	shalt  }
0x83: {  	_ =	shalt  }
0x84: {  	_ =	shalt  }
0x85: {  	_ =	shalt  }
0x86: {  	_ =	shalt  }
0x87: {  	_ =	shalt  }
.Lfunc_end0:
.L_simem_size_0:
called_computation_lowered:
.L_overlay_start_0:
0x88: {  	s2 =	sld [smem:$0x3FD9]  }
0x89: {  	s3 =	sld [smem:$0x3FFE];
	_ =	sdelay $0x1  }
0x8a: {  	s1 =	srdreg.scid  }
0x8b: {  	s0 =	sand.u32 $0x1, s1  }
0x8c: {  	s17 =	sshll.u32 s0, $0xA;
	s2 =	sadd.s32 s3, s2  }
0x8d: {  	s2 =	sadd.s32 s2, s17  }
0x8e: {  	[smem:$0x3FC0] =	sst s2  }
0x8f: {  	_ = 	snop  }
0x90: {  	s2 =	sld [smem:$0x3FC9];
	(tm) =	ssettm $0x1  }
0x91: {  	s18 =	sld [smem:$0x3FFB];
	_ =	sdelay $0x3  }
0x92: {  	_ =	strace s18  }
0x93: {  	s3 =	sld [smem:$0x3FFC];
	_ =	sdelay $0x3  }
0x94: {  	_ =	strace s3  }
0x95: {  	s3 =	sld [smem:$0x3FFD];
	_ =	sdelay $0x3  }
0x96: {  	_ =	strace s3  }
0x97: {  	_ =	strace $0x8FFFFFFF  }
0x98: {  	s19 =	sld [smem:$0x3FDB];
	_ =	sdelay $0x1  }
0x99: {  	s4 =	simm.s32 $_scs_section_size  }
0x9a: {  	s5 =	simm.s32 $_size__tile_overlayer_lowered;
	s6 =	simm.s32 $_tile_overlayer_lowered  }
0x9b: {  	s22 =	simm.s32 $0x1BFF;
	s21 =	sshll.u32 s6, $0x1;
	s3 =	sadd.s32 s4, s19  }
0x9c: {  	s7 =	simm.s32 $0x0;
	s20 =	sshll.u32 s5, $0x1;
	s5 =	sadd.s32 s21, s3  }
0x9d: {  	[timem:s7], [sflag:s22] =	dma.local [hbm:s5], s20  }
0x9e: {  	_ =	swait.ge [sflag:s22], s20  }
0x9f: {  	s4 =	ssub.s32 $0x0, s20;
	[sflag:s22] =	ssyncset.done $0x0  }
0xa0: {  	[sflag:s22] =	ssyncadd.s32 s4;
	_ =	sdelay $0x1  }
0xa1: {  	s23 =	simm.s32 $0x1B8B  }
0xa2: {  	_ =	swait.ge [sflag:s23], $0x1  }
0xa3: {  	[sflag:s23] =	ssyncset.done $0x0  }
0xa4: {  	s25 =	simm.s32 $0x1B8E;
	s24 =	sld [smem:$0x3FFE];
	[sflag:s23] =	ssyncadd.s32 $0xFFFFFFFF  }
0xa5: {  	s26 =	simm.s32 $execute0_lowered;
	[smem:$0x3FD2] =	sst s25  }
0xa6: {  	s5 =	sshll.u32 s26, $0x1;
	_ =	strace $0x80000046;
	[dreg:$0x1] =	wrdreg $0xFFFFFFFF  }
0xa7: {  	s28 =	simm.s32 $_size_execute0_lowered;
	s3 =	sadd.s32 s3, s5;
	[dreg:$0x0] =	wrdreg $0x0  }
0xa8: {  	s5 =	sshll.u32 s28, $0x1;
	[dreg:$0x2] =	wrdreg s3  }
0xa9: {  	[dreg:$0x3] =	wrdreg s5  }
0xaa: {  	[dreg:$0x4] =	wrdreg $0xC0  }
0xab: {  	_ =	task [dreg:s7], $0x5FFFF  }
0xac: {  	[dreg:$0x1] =	wrdreg $0xFFFFFFFF  }
0xad: {  	[dreg:$0x0] =	wrdreg $0x60  }
0xae: {  	[dreg:$0x2] =	wrdreg s2  }
0xaf: {  	[dreg:$0x3] =	wrdreg s24  }
0xb0: {  	[dreg:$0x4] =	wrdreg $0x9  }
0xb1: {  	_ =	task.clear_ibuf [dreg:s7], $0x5FFFF;
	_ =	strace $0x90000046  }
0xb2: {  	s29 =	simm.s32 $0x9;
	_ =	strace $0x80000048  }
0xb3: {  	_ =	swait.ge [sflag:s29], $0x1  }
0xb4: {  	[sflag:s29] =	ssyncadd.s32 $0xFFFFFFFF  }
0xb5: {  	_ =	strace $0x90000048  }
0xb6: {  	_ =	sfence  }
0xb7: {  	s30 =	sld [smem:$0x0];
	_ =	sdelay $0x2  }
0xb8: {  	s31 =	sshll.u32 s1, $0xD;
	s1 =	sshrl.u32 s1, $0x2  }
0xb9: {  	s3 =	sand.u32 $0x4000, s31;
	s1 =	sadd.s32 s1, s30  }
0xba: {  	s0 =	sor.u32 s3, s0;
	s1 =	sshll.u32 s1, $0x11  }
0xbb: {  	s0 =	sor.u32 s1, s0  }
0xbc: {  	s0 =	sadd.s32 $0x8F2B, s0  }
0xbd: {  	[sflag:s0] =	ssyncadd.remote.s32 $0x1  }
0xbe: {  	_ =	sfence.sel $0xFFFF  }
0xbf: {  	[dreg:$0x0] =	wrdreg $0xFFFFFFFF;
	(pc) =	sbr.abs _section_cstart, $3  }
0xc0: {  	[dreg:$0x1] =	wrdreg $0xFFFFFFFF  }
0xc1: {  	_ =	task.clear_ibuf [dreg:s7], $0x2FFFF;
	_ =	strace $0x9FFFFFFF  }
0xc2: {  	(tm) =	ssettm $0x7FFFFFFF  }
0xc3: {  	_ =	shalt  }
tec
execute0_lowered:
.L_overlay_start_1:
0x0: {  	(tag) =	ssettag $0x1  }
0x1: {  	s0 =	rddreg [dreg:$0x0]  }
0x2: {  	s1 =	rddreg [dreg:$0x1];
	s2 =	srdreg.scid  }
0x3: {  	s3 =	stileid.u32;
	s9 =	simm.s32 $0x2;
	s26 =	simm.s32 $0x80  }
0x4: {  	s18 =	simm.s32 $0x1;
	s21 =	simm.s32 $0x1900;
	s22 =	simm.s32 $0x2100  }
0x5: {  	s28 =	simm.s32 $0x4900;
	s29 =	simm.s32 $0x5100;
	s30 =	simm.s32 $0x5900  }
0x6: {  	s31 =	simm.s32 $0x6100;
	s10 =	simm.s32 $0x7900;
	s11 =	simm.s32 $0x8100  }
0x7: {  	s12 =	simm.s32 $0x8900;
	s13 =	simm.s32 $0x9100;
	s14 =	simm.s32 $0x9900  }
0x8: {  	s15 =	simm.s32 $0xA100;
	s16 =	simm.s32 $0xA900;
	s17 =	simm.s32 $0xB100  }
0x9: {  	s8 =	simm.s32 $0xB900;
	s4 =	sand.u32 $0x1, s2;
	s2 =	simm.s32 $0x0  }
0xa: {  	s3 =	sshll.u32 s3, $0x7;
	s5 =	sshll.u32 s4, $0x6;
	[smem:$0x7FF] =	sst s2  }
0xb: {  	s4 =	ssub.s32 $0x2, s4;
	s3 =	sor.u32 s5, s3;
	_ =	strace $0x80000047  }
0xc: {  	s24 =	sshrl.u32 s4, $0x1;
	[dreg:$0x6] =	wrdreg s26;
	s26 =	simm.s32 $0x4100  }
0xd: {  	s5 =	sshrl.u32 s3, $0x3;
	s6 =	sshll.u32 s3, $0x7;
	s3 =	sadd.s32 $0x2000, s1  }
0xe: {  	s7 =	ssub.s32 s4, s24;
	s4 =	sadd.s32 $0x2100, s1;
	s24 =	simm.s32 $0x3100  }
0xf: {  	s5 =	sadd.s32 s5, s1;
	s0 =	sadd.s32 s0, s6;
	s6 =	sadd.s32 $0x2300, s1  }
0x10: {  	v2 =	vlaneseq.u32;
	s7 =	smax.u32 s7, $0x1;
	[dreg:$0x3] =	wrdreg s0;
	s23 =	sadd.s32 $0x1C00, s5  }
0x11: {  	vm0 =	vmmov $0xffff;
	v1 =	vshrl.u32 v2, $0x3;
	s25 =	sadd.s32 $0x1E00, s5;
	s5 =	sadd.s32 $0x2200, s1;
	[dreg:$0x4] =	wrdreg s23  }
0x12: {  	v0 =	vand.u32 $0x7, v2;
	v2 =	vor.u32 $0x8, v2;
	v1 =	vmul.u32 $0x8, v1;
	[dreg:$0x5] =	wrdreg s25;
	s23 =	simm.s32 $0x2900;
	s25 =	simm.s32 $0x3900  }
.LBB2_1:
0x13: {  	s19 =	rddreg [dreg:$0x3];
	s0 =	simm.s32 $0x100  }
0x14: {  	[tilespmem:s0], [sflag:$0x2] =	stream.linear.gather [hbm4b:s19+s2], $0x10000, $0x38;
	[tilespmem:$0x10100] =	vst v63  }
0x15: {  	_ =	swait.ge [sflag:s9], $0x10000  }
0x16: {  	[sflag:s9] =	ssyncset.done $0x0  }
0x17: {  	s20 =	rddreg [dreg:$0x4];
	[sflag:s9] =	ssyncadd.s32 $0xFFFF0000  }
0x18: {  	[tilespmem:s2], [sflag:$0x2] =	stream.linear.gather [hbm4b:s20+s2], $0x40, $0x38;
	[tilespmem:$0x10100] =	vst v63  }
0x19: {  	_ =	swait.ge [sflag:s9], $0x40  }
0x1a: {  	s1 =	rddreg [dreg:$0x5];
	[sflag:s9] =	ssyncset.done $0x0  }
0x1b: {  	s20 =	rddreg [dreg:$0x6];
	[sflag:s9] =	ssyncadd.s32 $0xFFFFFFC0  }
0x1c: {  	[tilespmem:s20], [sflag:$0x2] =	stream.linear.gather [hbm4b:s1+s2], $0x40, $0x38;
	[tilespmem:$0x10100] =	vst v63  }
0x1d: {  	_ =	swait.ge [sflag:s9], $0x40  }
0x1e: {  	[sflag:s9] =	ssyncset.done $0x0  }
0x1f: {  	[sflag:s9] =	ssyncadd.s32 $0xFFFFFFC0  }
0x20: {  	v3 =	vld [tilespmem:$0x0];
	_ =	sdelay $0x4  }
0x21: {  	v4 =	vshll.u32 v3, $0x3  }
0x22: {  	v3 =	vand.u32 $0x7, v3;
	v4 =	vand.u32 $0xFFFFFFC0, v4  }
0x23: {  	v3 =	vor.u32 v3, v4  }
0x24: {  	v4 =	vperm.xlane v3, v0;
	_ =	sdelay $0x1  }
0x25: {  	v4 =	vadd.s32 v1, v4;
	_ =	sdelay $0x4  }
0x26: {  	[hbm4b:s3+s2] =	stream.indirect_vreg.scatter [tilespmem:s0], [sflag:$0x1], $0x80, v4, vm0, $0xb8;
	[tilespmem:$0x10100] =	vst v63  }
0x27: {  	s19 =	simm.s32 $0x900;
	v3 =	vperm.xlane v3, v2  }
0x28: {  	[hbm4b:s4+s2] =	stream.indirect_vreg.scatter [tilespmem:s19], [sflag:$0x1], $0x80, v4, vm0, $0xb8;
	[tilespmem:$0x10100] =	vst v63  }
0x29: {  	s20 =	simm.s32 $0x1100;
	v3 =	vadd.s32 v1, v3  }
0x2a: {  	[hbm4b:s5+s2] =	stream.indirect_vreg.scatter [tilespmem:s20], [sflag:$0x1], $0x80, v4, vm0, $0xb8;
	[tilespmem:$0x10100] =	vst v63  }
0x2b: {  	_ = 	snop  }
0x2c: {  	[hbm4b:s6+s2] =	stream.indirect_vreg.scatter [tilespmem:s21], [sflag:$0x1], $0x80, v4, vm0, $0xb8;
	[tilespmem:$0x10100] =	vst v63  }
0x2d: {  	_ = 	snop  }
0x2e: {  	[hbm4b:s3+s2] =	stream.indirect_vreg.scatter [tilespmem:s22], [sflag:$0x1], $0x80, v3, vm0, $0xb8;
	[tilespmem:$0x10100] =	vst v63  }
0x2f: {  	_ = 	snop  }
0x30: {  	[hbm4b:s4+s2] =	stream.indirect_vreg.scatter [tilespmem:s23], [sflag:$0x1], $0x80, v3, vm0, $0xb8;
	[tilespmem:$0x10100] =	vst v63  }
0x31: {  	_ = 	snop  }
0x32: {  	[hbm4b:s5+s2] =	stream.indirect_vreg.scatter [tilespmem:s24], [sflag:$0x1], $0x80, v3, vm0, $0xb8;
	[tilespmem:$0x10100] =	vst v63  }
0x33: {  	_ = 	snop  }
0x34: {  	[hbm4b:s6+s2] =	stream.indirect_vreg.scatter [tilespmem:s25], [sflag:$0x1], $0x80, v3, vm0, $0xb8;
	[tilespmem:$0x10100] =	vst v63  }
0x35: {  	v3 =	vld [tilespmem:$0x10];
	_ =	sdelay $0x4  }
0x36: {  	v57 =	vshll.u32 v3, $0x3  }
0x37: {  	v3 =	vand.u32 $0x7, v3;
	v4 =	vand.u32 $0xFFFFFFC0, v57  }
0x38: {  	v3 =	vor.u32 v3, v4  }
0x39: {  	v4 =	vperm.xlane v3, v0;
	_ =	sdelay $0x1  }
0x3a: {  	v4 =	vadd.s32 v1, v4;
	_ =	sdelay $0x4  }
0x3b: {  	[hbm4b:s3+s2] =	stream.indirect_vreg.scatter [tilespmem:s26], [sflag:$0x1], $0x80, v4, vm0, $0xb8;
	[tilespmem:$0x10100] =	vst v63  }
0x3c: {  	v3 =	vperm.xlane v3, v2  }
0x3d: {  	[hbm4b:s4+s2] =	stream.indirect_vreg.scatter [tilespmem:s28], [sflag:$0x1], $0x80, v4, vm0, $0xb8;
	[tilespmem:$0x10100] =	vst v63  }
0x3e: {  	v3 =	vadd.s32 v1, v3  }
0x3f: {  	[hbm4b:s5+s2] =	stream.indirect_vreg.scatter [tilespmem:s29], [sflag:$0x1], $0x80, v4, vm0, $0xb8;
	[tilespmem:$0x10100] =	vst v63  }
0x40: {  	_ = 	snop  }
0x41: {  	[hbm4b:s6+s2] =	stream.indirect_vreg.scatter [tilespmem:s30], [sflag:$0x1], $0x80, v4, vm0, $0xb8;
	[tilespmem:$0x10100] =	vst v63  }
0x42: {  	_ = 	snop  }
0x43: {  	[hbm4b:s3+s2] =	stream.indirect_vreg.scatter [tilespmem:s31], [sflag:$0x1], $0x80, v3, vm0, $0xb8;
	[tilespmem:$0x10100] =	vst v63  }
0x44: {  	s1 =	simm.s32 $0x6900  }
0x45: {  	[hbm4b:s4+s2] =	stream.indirect_vreg.scatter [tilespmem:s1], [sflag:$0x1], $0x80, v3, vm0, $0xb8;
	[tilespmem:$0x10100] =	vst v63  }
0x46: {  	s1 =	simm.s32 $0x7100  }
0x47: {  	[hbm4b:s5+s2] =	stream.indirect_vreg.scatter [tilespmem:s1], [sflag:$0x1], $0x80, v3, vm0, $0xb8;
	[tilespmem:$0x10100] =	vst v63  }
0x48: {  	_ = 	snop  }
0x49: {  	[hbm4b:s6+s2] =	stream.indirect_vreg.scatter [tilespmem:s10], [sflag:$0x1], $0x80, v3, vm0, $0xb8;
	[tilespmem:$0x10100] =	vst v63  }
0x4a: {  	v3 =	vld [tilespmem:$0x20];
	_ =	sdelay $0x4  }
0x4b: {  	v58 =	vshll.u32 v3, $0x3  }
0x4c: {  	v3 =	vand.u32 $0x7, v3;
	v4 =	vand.u32 $0xFFFFFFC0, v58  }
0x4d: {  	v3 =	vor.u32 v3, v4  }
0x4e: {  	v4 =	vperm.xlane v3, v0;
	_ =	sdelay $0x1  }
0x4f: {  	v4 =	vadd.s32 v1, v4;
	_ =	sdelay $0x4  }
0x50: {  	[hbm4b:s3+s2] =	stream.indirect_vreg.scatter [tilespmem:s11], [sflag:$0x1], $0x80, v4, vm0, $0xb8;
	[tilespmem:$0x10100] =	vst v63  }
0x51: {  	v3 =	vperm.xlane v3, v2  }
0x52: {  	[hbm4b:s4+s2] =	stream.indirect_vreg.scatter [tilespmem:s12], [sflag:$0x1], $0x80, v4, vm0, $0xb8;
	[tilespmem:$0x10100] =	vst v63  }
0x53: {  	v3 =	vadd.s32 v1, v3  }
0x54: {  	[hbm4b:s5+s2] =	stream.indirect_vreg.scatter [tilespmem:s13], [sflag:$0x1], $0x80, v4, vm0, $0xb8;
	[tilespmem:$0x10100] =	vst v63  }
0x55: {  	_ = 	snop  }
0x56: {  	[hbm4b:s6+s2] =	stream.indirect_vreg.scatter [tilespmem:s14], [sflag:$0x1], $0x80, v4, vm0, $0xb8;
	[tilespmem:$0x10100] =	vst v63  }
0x57: {  	_ = 	snop  }
0x58: {  	[hbm4b:s3+s2] =	stream.indirect_vreg.scatter [tilespmem:s15], [sflag:$0x1], $0x80, v3, vm0, $0xb8;
	[tilespmem:$0x10100] =	vst v63  }
0x59: {  	_ = 	snop  }
0x5a: {  	[hbm4b:s4+s2] =	stream.indirect_vreg.scatter [tilespmem:s16], [sflag:$0x1], $0x80, v3, vm0, $0xb8;
	[tilespmem:$0x10100] =	vst v63  }
0x5b: {  	_ = 	snop  }
0x5c: {  	[hbm4b:s5+s2] =	stream.indirect_vreg.scatter [tilespmem:s17], [sflag:$0x1], $0x80, v3, vm0, $0xb8;
	[tilespmem:$0x10100] =	vst v63  }
0x5d: {  	_ = 	snop  }
0x5e: {  	[hbm4b:s6+s2] =	stream.indirect_vreg.scatter [tilespmem:s8], [sflag:$0x1], $0x80, v3, vm0, $0xb8;
	[tilespmem:$0x10100] =	vst v63  }
0x5f: {  	v3 =	vld [tilespmem:$0x30];
	_ =	sdelay $0x4  }
0x60: {  	v59 =	vshll.u32 v3, $0x3  }
0x61: {  	v3 =	vand.u32 $0x7, v3;
	v4 =	vand.u32 $0xFFFFFFC0, v59  }
0x62: {  	v3 =	vor.u32 v3, v4  }
0x63: {  	v4 =	vperm.xlane v3, v0;
	_ =	sdelay $0x1  }
0x64: {  	v4 =	vadd.s32 v1, v4;
	_ =	sdelay $0x3  }
0x65: {  	s1 =	simm.s32 $0xC100  }
0x66: {  	[hbm4b:s3+s2] =	stream.indirect_vreg.scatter [tilespmem:s1], [sflag:$0x1], $0x80, v4, vm0, $0xb8;
	[tilespmem:$0x10100] =	vst v63  }
0x67: {  	v3 =	vperm.xlane v3, v2;
	s1 =	simm.s32 $0xC900  }
0x68: {  	[hbm4b:s4+s2] =	stream.indirect_vreg.scatter [tilespmem:s1], [sflag:$0x1], $0x80, v4, vm0, $0xb8;
	[tilespmem:$0x10100] =	vst v63  }
0x69: {  	v3 =	vadd.s32 v1, v3;
	s1 =	simm.s32 $0xD100  }
0x6a: {  	[hbm4b:s5+s2] =	stream.indirect_vreg.scatter [tilespmem:s1], [sflag:$0x1], $0x80, v4, vm0, $0xb8;
	[tilespmem:$0x10100] =	vst v63  }
0x6b: {  	s1 =	simm.s32 $0xD900  }
0x6c: {  	[hbm4b:s6+s2] =	stream.indirect_vreg.scatter [tilespmem:s1], [sflag:$0x1], $0x80, v4, vm0, $0xb8;
	[tilespmem:$0x10100] =	vst v63  }
0x6d: {  	s1 =	simm.s32 $0xE100  }
0x6e: {  	[hbm4b:s3+s2] =	stream.indirect_vreg.scatter [tilespmem:s1], [sflag:$0x1], $0x80, v3, vm0, $0xb8;
	[tilespmem:$0x10100] =	vst v63  }
0x6f: {  	s1 =	simm.s32 $0xE900  }
0x70: {  	[hbm4b:s4+s2] =	stream.indirect_vreg.scatter [tilespmem:s1], [sflag:$0x1], $0x80, v3, vm0, $0xb8;
	[tilespmem:$0x10100] =	vst v63  }
0x71: {  	s1 =	simm.s32 $0xF100  }
0x72: {  	[hbm4b:s5+s2] =	stream.indirect_vreg.scatter [tilespmem:s1], [sflag:$0x1], $0x80, v3, vm0, $0xb8;
	[tilespmem:$0x10100] =	vst v63  }
0x73: {  	s1 =	simm.s32 $0xF900  }
0x74: {  	[hbm4b:s6+s2] =	stream.indirect_vreg.scatter [tilespmem:s1], [sflag:$0x1], $0x80, v3, vm0, $0xb8;
	[tilespmem:$0x10100] =	vst v63  }
0x75: {  	_ =	swait.ge [sflag:s18], $0x10000  }
0x76: {  	[sflag:s18] =	ssyncset.done $0x0  }
0x77: {  	[sflag:s18] =	ssyncadd.s32 $0xFFFF0000  }
0x78: {  	v3 =	vld [tilespmem:$0x80];
	_ =	sdelay $0x4  }
0x79: {  	v60 =	vshll.u32 v3, $0x3  }
0x7a: {  	v3 =	vand.u32 $0x7, v3;
	v4 =	vand.u32 $0xFFFFFFC0, v60  }
0x7b: {  	v3 =	vor.u32 v3, v4  }
0x7c: {  	v4 =	vperm.xlane v3, v0;
	_ =	sdelay $0x1  }
0x7d: {  	v4 =	vadd.s32 v1, v4;
	_ =	sdelay $0x4  }
0x7e: {  	[hbm4b:s3+s2] =	stream.indirect_vreg.scatter [tilespmem:s0], [sflag:$0x1], $0x80, v4, vm0, $0xb8;
	[tilespmem:$0x10100] =	vst v63  }
0x7f: {  	v3 =	vperm.xlane v3, v2  }
0x80: {  	[hbm4b:s4+s2] =	stream.indirect_vreg.scatter [tilespmem:s19], [sflag:$0x1], $0x80, v4, vm0, $0xb8;
	[tilespmem:$0x10100] =	vst v63  }
0x81: {  	v3 =	vadd.s32 v1, v3  }
0x82: {  	[hbm4b:s5+s2] =	stream.indirect_vreg.scatter [tilespmem:s20], [sflag:$0x1], $0x80, v4, vm0, $0xb8;
	[tilespmem:$0x10100] =	vst v63  }
0x83: {  	_ = 	snop  }
0x84: {  	[hbm4b:s6+s2] =	stream.indirect_vreg.scatter [tilespmem:s21], [sflag:$0x1], $0x80, v4, vm0, $0xb8;
	[tilespmem:$0x10100] =	vst v63  }
0x85: {  	_ = 	snop  }
0x86: {  	[hbm4b:s3+s2] =	stream.indirect_vreg.scatter [tilespmem:s22], [sflag:$0x1], $0x80, v3, vm0, $0xb8;
	[tilespmem:$0x10100] =	vst v63  }
0x87: {  	_ = 	snop  }
0x88: {  	[hbm4b:s4+s2] =	stream.indirect_vreg.scatter [tilespmem:s23], [sflag:$0x1], $0x80, v3, vm0, $0xb8;
	[tilespmem:$0x10100] =	vst v63  }
0x89: {  	_ = 	snop  }
0x8a: {  	[hbm4b:s5+s2] =	stream.indirect_vreg.scatter [tilespmem:s24], [sflag:$0x1], $0x80, v3, vm0, $0xb8;
	[tilespmem:$0x10100] =	vst v63  }
0x8b: {  	_ = 	snop  }
0x8c: {  	[hbm4b:s6+s2] =	stream.indirect_vreg.scatter [tilespmem:s25], [sflag:$0x1], $0x80, v3, vm0, $0xb8;
	[tilespmem:$0x10100] =	vst v63  }
0x8d: {  	v3 =	vld [tilespmem:$0x90];
	_ =	sdelay $0x4  }
0x8e: {  	v61 =	vshll.u32 v3, $0x3  }
0x8f: {  	v3 =	vand.u32 $0x7, v3;
	v4 =	vand.u32 $0xFFFFFFC0, v61  }
0x90: {  	v3 =	vor.u32 v3, v4  }
0x91: {  	v4 =	vperm.xlane v3, v0;
	_ =	sdelay $0x1  }
0x92: {  	v4 =	vadd.s32 v1, v4;
	_ =	sdelay $0x4  }
0x93: {  	[hbm4b:s3+s2] =	stream.indirect_vreg.scatter [tilespmem:s26], [sflag:$0x1], $0x80, v4, vm0, $0xb8;
	[tilespmem:$0x10100] =	vst v63  }
0x94: {  	v3 =	vperm.xlane v3, v2  }
0x95: {  	[hbm4b:s4+s2] =	stream.indirect_vreg.scatter [tilespmem:s28], [sflag:$0x1], $0x80, v4, vm0, $0xb8;
	[tilespmem:$0x10100] =	vst v63  }
0x96: {  	v3 =	vadd.s32 v1, v3  }
0x97: {  	[hbm4b:s5+s2] =	stream.indirect_vreg.scatter [tilespmem:s29], [sflag:$0x1], $0x80, v4, vm0, $0xb8;
	[tilespmem:$0x10100] =	vst v63  }
0x98: {  	_ = 	snop  }
0x99: {  	[hbm4b:s6+s2] =	stream.indirect_vreg.scatter [tilespmem:s30], [sflag:$0x1], $0x80, v4, vm0, $0xb8;
	[tilespmem:$0x10100] =	vst v63  }
0x9a: {  	_ = 	snop  }
0x9b: {  	[hbm4b:s3+s2] =	stream.indirect_vreg.scatter [tilespmem:s31], [sflag:$0x1], $0x80, v3, vm0, $0xb8;
	[tilespmem:$0x10100] =	vst v63  }
0x9c: {  	s20 =	simm.s32 $0x6900  }
0x9d: {  	[hbm4b:s4+s2] =	stream.indirect_vreg.scatter [tilespmem:s20], [sflag:$0x1], $0x80, v3, vm0, $0xb8;
	[tilespmem:$0x10100] =	vst v63  }
0x9e: {  	s19 =	simm.s32 $0x7100  }
0x9f: {  	[hbm4b:s5+s2] =	stream.indirect_vreg.scatter [tilespmem:s19], [sflag:$0x1], $0x80, v3, vm0, $0xb8;
	[tilespmem:$0x10100] =	vst v63  }
0xa0: {  	_ = 	snop  }
0xa1: {  	[hbm4b:s6+s2] =	stream.indirect_vreg.scatter [tilespmem:s10], [sflag:$0x1], $0x80, v3, vm0, $0xb8;
	[tilespmem:$0x10100] =	vst v63  }
0xa2: {  	v3 =	vld [tilespmem:$0xA0];
	_ =	sdelay $0x4  }
0xa3: {  	v62 =	vshll.u32 v3, $0x3  }
0xa4: {  	v3 =	vand.u32 $0x7, v3;
	v4 =	vand.u32 $0xFFFFFFC0, v62  }
0xa5: {  	v3 =	vor.u32 v3, v4  }
0xa6: {  	v4 =	vperm.xlane v3, v0;
	_ =	sdelay $0x1  }
0xa7: {  	v4 =	vadd.s32 v1, v4;
	_ =	sdelay $0x4  }
0xa8: {  	[hbm4b:s3+s2] =	stream.indirect_vreg.scatter [tilespmem:s11], [sflag:$0x1], $0x80, v4, vm0, $0xb8;
	[tilespmem:$0x10100] =	vst v63  }
0xa9: {  	v3 =	vperm.xlane v3, v2  }
0xaa: {  	[hbm4b:s4+s2] =	stream.indirect_vreg.scatter [tilespmem:s12], [sflag:$0x1], $0x80, v4, vm0, $0xb8;
	[tilespmem:$0x10100] =	vst v63  }
0xab: {  	v3 =	vadd.s32 v1, v3  }
0xac: {  	[hbm4b:s5+s2] =	stream.indirect_vreg.scatter [tilespmem:s13], [sflag:$0x1], $0x80, v4, vm0, $0xb8;
	[tilespmem:$0x10100] =	vst v63  }
0xad: {  	_ = 	snop  }
0xae: {  	[hbm4b:s6+s2] =	stream.indirect_vreg.scatter [tilespmem:s14], [sflag:$0x1], $0x80, v4, vm0, $0xb8;
	[tilespmem:$0x10100] =	vst v63  }
0xaf: {  	_ = 	snop  }
0xb0: {  	[hbm4b:s3+s2] =	stream.indirect_vreg.scatter [tilespmem:s15], [sflag:$0x1], $0x80, v3, vm0, $0xb8;
	[tilespmem:$0x10100] =	vst v63  }
0xb1: {  	_ = 	snop  }
0xb2: {  	[hbm4b:s4+s2] =	stream.indirect_vreg.scatter [tilespmem:s16], [sflag:$0x1], $0x80, v3, vm0, $0xb8;
	[tilespmem:$0x10100] =	vst v63  }
0xb3: {  	_ = 	snop  }
0xb4: {  	[hbm4b:s5+s2] =	stream.indirect_vreg.scatter [tilespmem:s17], [sflag:$0x1], $0x80, v3, vm0, $0xb8;
	[tilespmem:$0x10100] =	vst v63  }
0xb5: {  	_ = 	snop  }
0xb6: {  	[hbm4b:s6+s2] =	stream.indirect_vreg.scatter [tilespmem:s8], [sflag:$0x1], $0x80, v3, vm0, $0xb8;
	[tilespmem:$0x10100] =	vst v63  }
0xb7: {  	v3 =	vld [tilespmem:$0xB0];
	_ =	sdelay $0x4  }
0xb8: {  	v63 =	vshll.u32 v3, $0x3  }
0xb9: {  	v3 =	vand.u32 $0x7, v3;
	v4 =	vand.u32 $0xFFFFFFC0, v63  }
0xba: {  	v3 =	vor.u32 v3, v4  }
0xbb: {  	v4 =	vperm.xlane v3, v0;
	_ =	sdelay $0x1  }
0xbc: {  	v4 =	vadd.s32 v1, v4;
	_ =	sdelay $0x3  }
0xbd: {  	s20 =	simm.s32 $0xC100  }
0xbe: {  	[hbm4b:s3+s2] =	stream.indirect_vreg.scatter [tilespmem:s20], [sflag:$0x1], $0x80, v4, vm0, $0xb8;
	[tilespmem:$0x10100] =	vst v63  }
0xbf: {  	s19 =	simm.s32 $0xC900;
	v3 =	vperm.xlane v3, v2  }
0xc0: {  	[hbm4b:s4+s2] =	stream.indirect_vreg.scatter [tilespmem:s19], [sflag:$0x1], $0x80, v4, vm0, $0xb8;
	[tilespmem:$0x10100] =	vst v63  }
0xc1: {  	v3 =	vadd.s32 v1, v3;
	s20 =	simm.s32 $0xD100  }
0xc2: {  	[hbm4b:s5+s2] =	stream.indirect_vreg.scatter [tilespmem:s20], [sflag:$0x1], $0x80, v4, vm0, $0xb8;
	[tilespmem:$0x10100] =	vst v63  }
0xc3: {  	s19 =	simm.s32 $0xD900  }
0xc4: {  	[hbm4b:s6+s2] =	stream.indirect_vreg.scatter [tilespmem:s19], [sflag:$0x1], $0x80, v4, vm0, $0xb8;
	[tilespmem:$0x10100] =	vst v63  }
0xc5: {  	s20 =	simm.s32 $0xE100  }
0xc6: {  	[hbm4b:s3+s2] =	stream.indirect_vreg.scatter [tilespmem:s20], [sflag:$0x1], $0x80, v3, vm0, $0xb8;
	[tilespmem:$0x10100] =	vst v63  }
0xc7: {  	s19 =	simm.s32 $0xE900  }
0xc8: {  	[hbm4b:s4+s2] =	stream.indirect_vreg.scatter [tilespmem:s19], [sflag:$0x1], $0x80, v3, vm0, $0xb8;
	[tilespmem:$0x10100] =	vst v63  }
0xc9: {  	p0 =	sne.s32 s7, $0x1;
	s20 =	simm.s32 $0xF100  }
0xca: {  	[hbm4b:s5+s2] =	stream.indirect_vreg.scatter [tilespmem:s20], [sflag:$0x1], $0x80, v3, vm0, $0xb8;
	[tilespmem:$0x10100] =	vst v63  }
.Ltmp0:
0xcb: {  	_ = 	snop;
	(pc) =	sbr.rel @p0 .LBB2_1-.Ltmp0, $4  }
0xcc: {  	[hbm4b:s6+s2] =	stream.indirect_vreg.scatter [tilespmem:s1], [sflag:$0x1], $0x80, v3, vm0, $0xb8;
	[tilespmem:$0x10100] =	vst v63  }
0xcd: {  	_ =	swait.ge [sflag:s18], $0x10000  }
0xce: {  	[sflag:s18] =	ssyncset.done $0x0  }
0xcf: {  	s7 =	sadd.s32 $0xFFFFFFFF, s7;
	[sflag:s18] =	ssyncadd.s32 $0xFFFF0000  }
0xd0: {  	_ =	sfence.sel $0x180000  }
0xd1: {  	[bflag:$0x0] =	sbarrier.arrive $0xFFFF  }
0xd2: {  	_ =	strace $0x90000047  }
0xd3: {  	s0 =	stileid.u32;
	[bflag:$0x2] =	sbarrier.arrive $0xFFFF  }
0xd4: {  	p0 =	sne.s32 s0, $0x0;
	s0 =	rddreg [dreg:$0x2]  }
0xd5: {  	s0 =	sadd.s32 @!p0 $0x100000, s0  }
0xd6: {  	[sflag:s0] =	ssyncadd.tile.s32 @!p0 $0x1;
	_ =	shalt  }
.Lfunc_end2:
_tile_overlayer_lowered:
.L_overlay_start_2:
0xd7: {  	(tag) =	ssettag $0x2  }
0xd8: {  	s0 =	rddreg [dreg:$0x0];
	s2 =	stileid.u32  }
0xd9: {  	s1 =	rddreg [dreg:$0x1];
	p0 =	sne.s32 s2, $0x0  }
0xda: {  	s3 =	rddreg [dreg:$0x2];
	[bflag:$0x3] =	sbarrier.arrive $0xFFFF;
	s2 =	simm.s32 @!p0 $0x1C02  }
0xdb: {  	[timem:s3], [sflag:s2] =	dma.local @!p0 [hbm:s0], s1  }
0xdc: {  	s0 =	simm.s32 @!p0 $0x2  }
0xdd: {  	_ =	swait.ge @!p0 [sflag:s0], s1  }
0xde: {  	s1 =	ssub.s32 @!p0 $0x0, s1;
	[sflag:s0] =	ssyncset.done @!p0 $0x0  }
0xdf: {  	[sflag:s0] =	ssyncadd.s32 @!p0 s1  }
0xe0: {  	[bflag:$0x3] =	sbarrier.arrive $0xFFFF  }
0xe1: {  	_ =	shalt  }

</sc_bundles>
